<compile_context>
chip_gen: v7x
topology: tpu7x:2x2x1
jax: 0.10.2.dev20260603
libtpu: 0.0.44.dev20260713+nightly
codegen_flags: <defaults>
</compile_context>

<pallas_src>
import jax
import jax.numpy as jnp
from jax import lax
from jax.experimental import pallas as pl
from jax.experimental.pallas import tpu as pltpu
from jax.experimental.pallas import tpu_sc as plsc

_NC = 2
_NS = 16
_NW = _NC * _NS
_CH = 128


def _mesh():
    return plsc.VectorSubcoreMesh(core_axis_name="c", subcore_axis_name="s",
                                  num_cores=_NC, num_subcores=_NS)


def _sc_degree(dst_p, n_rows, u0, u1):

    def body(dst_hbm, out_hbm, dst_v, hist_v):
        c = lax.axis_index("c")
        s = lax.axis_index("s")
        w = s * _NC + c
        z16 = jnp.zeros((16,), jnp.float32)

        def zrow(r, carry):
            hist_v[pl.ds(r * 16, 16)] = z16
            return carry

        lax.fori_loop(0, n_rows // 16, zrow, 0)

        base = jnp.where(c == 0, s * u0, _NS * u0 + s * u1)
        nst = jnp.where(c == 0, u0 // 16, u1 // 16)
        pltpu.sync_copy(dst_hbm.at[pl.ds(base, u0)], dst_v)
        ones = jnp.ones((16,), jnp.float32)

        def it(i, carry):
            idx = dst_v[pl.ds(i * 16, 16)]
            plsc.addupdate_scatter(hist_v, [idx], ones)
            return carry

        lax.fori_loop(0, nst, it, 0)
        pltpu.sync_copy(hist_v, out_hbm.at[w])

    f = pl.kernel(
        body,
        out_type=jax.ShapeDtypeStruct((_NW, n_rows), jnp.float32),
        mesh=_mesh(),
        compiler_params=pltpu.CompilerParams(needs_layout_passes=False),
        scratch_types=[
            pltpu.VMEM((u0,), jnp.int32),
            pltpu.VMEM((n_rows,), jnp.float32),
        ],
    )
    return f(dst_p)


_NBUF = 2


def _sc_scatter_rows(vals, src_p_flat, dst_p_flat):
    n_rows, f = vals.shape
    steps = src_p_flat.shape[0] // (_NW * _CH)
    rpt = n_rows // _NS
    n16 = f // 16

    hch = _CH // 2

    def body(vals_hbm, src_hbm, dst_hbm, out_hbm, s0, d0, b0,
             acc_sh, gsem, gsem1):
        c = lax.axis_index("c")
        s = lax.axis_index("s")
        w = s * _NC + c
        z16 = jnp.zeros((16,), jnp.float32)

        def zrow(r, carry):
            for kk in range(n16):
                b0[r, pl.ds(kk * 16, 16)] = z16
            return carry

        lax.fori_loop(0, _CH, zrow, 0)

        row0 = s * rpt
        for t in range(rpt // _CH):
            pltpu.sync_copy(b0, acc_sh.at[pl.ds(row0 + t * _CH, _CH)])
        plsc.subcore_barrier()

        n0 = (2 * steps * 66) // 100
        n1 = 2 * steps - n0
        steps_w = jnp.where(c == 0, n0, n1)
        base = jnp.where(c == 0, s * n0, _NS * n0 + s * n1) * _CH

        def it(jj, carry):
            off = base + jj * _CH
            pltpu.sync_copy(src_hbm.at[pl.ds(off, _CH)], s0)
            pltpu.sync_copy(dst_hbm.at[pl.ds(off, _CH)], d0)
            pltpu.async_copy(vals_hbm.at[s0], b0, gsem).wait()
            pltpu.sync_copy(b0, acc_sh.at[d0], add=True)
            return carry

        lax.fori_loop(0, steps_w, it, 0)
        plsc.subcore_barrier()
        pltpu.sync_copy(acc_sh.at[pl.ds(row0, rpt)],
                        out_hbm.at[c, pl.ds(row0, rpt)])

    f_k = pl.kernel(
        body,
        out_type=jax.ShapeDtypeStruct((_NC, n_rows, f), jnp.float32),
        mesh=_mesh(),
        compiler_params=pltpu.CompilerParams(needs_layout_passes=False),
        scratch_types=[
            pltpu.VMEM((_CH,), jnp.int32),
            pltpu.VMEM((_CH,), jnp.int32),
            pltpu.VMEM((_CH, f), jnp.float32),
            pltpu.VMEM_SHARED((n_rows, f), jnp.float32),
            pltpu.SemaphoreType.DMA,
            pltpu.SemaphoreType.DMA,
        ],
    )
    return f_k(vals, src_p_flat, dst_p_flat)


def _sc_scatter_cols(g2, src_p, dst_p, u0, u1):
    _, n_rows = g2.shape

    def body(g_hbm, src_hbm, dst_hbm, out_hbm, g0_v, g1_v, a0_v, a1_v,
             src_v, dst_v):
        c = lax.axis_index("c")
        s = lax.axis_index("s")
        w = s * _NC + c
        z16 = jnp.zeros((16,), jnp.float32)

        def zrow(r, carry):
            a0_v[pl.ds(r * 16, 16)] = z16
            a1_v[pl.ds(r * 16, 16)] = z16
            return carry

        lax.fori_loop(0, n_rows // 16, zrow, 0)

        base = jnp.where(c == 0, s * u0, _NS * u0 + s * u1)
        nst = jnp.where(c == 0, u0 // 16, u1 // 16)
        pltpu.sync_copy(g_hbm.at[0], g0_v)
        pltpu.sync_copy(g_hbm.at[1], g1_v)
        pltpu.sync_copy(src_hbm.at[pl.ds(base, u0)], src_v)
        pltpu.sync_copy(dst_hbm.at[pl.ds(base, u0)], dst_v)

        def it(i, carry):
            sidx = src_v[pl.ds(i * 16, 16)]
            didx = dst_v[pl.ds(i * 16, 16)]
            v0 = plsc.load_gather(g0_v, [sidx])
            v1 = plsc.load_gather(g1_v, [sidx])
            plsc.addupdate_scatter(a0_v, [didx], v0)
            plsc.addupdate_scatter(a1_v, [didx], v1)
            return carry

        lax.fori_loop(0, nst, it, 0)
        pltpu.sync_copy(a0_v, out_hbm.at[w, 0])
        pltpu.sync_copy(a1_v, out_hbm.at[w, 1])

    f_k = pl.kernel(
        body,
        out_type=jax.ShapeDtypeStruct((_NW, 2, n_rows), jnp.float32),
        mesh=_mesh(),
        compiler_params=pltpu.CompilerParams(needs_layout_passes=False),
        scratch_types=[
            pltpu.VMEM((n_rows,), jnp.float32),
            pltpu.VMEM((n_rows,), jnp.float32),
            pltpu.VMEM((n_rows,), jnp.float32),
            pltpu.VMEM((n_rows,), jnp.float32),
            pltpu.VMEM((u0,), jnp.int32),
            pltpu.VMEM((u0,), jnp.int32),
        ],
    )
    return f_k(g2, src_p, dst_p)


def _tc_deg_to_dinv(hist):
    _, hr, _ = hist.shape

    def body(h_ref, o_ref):
        deg = jnp.sum(h_ref[...], axis=0) + 1.0
        o_ref[...] = lax.rsqrt(deg)

    return pl.pallas_call(
        body, out_shape=jax.ShapeDtypeStruct((hr, 128), jnp.float32))(hist)


def _tc_scale(xp, d_col):
    nr, f = xp.shape
    blk = 512

    def body(x_ref, d_ref, o_ref):
        o_ref[...] = x_ref[...] * d_ref[...]

    return pl.pallas_call(
        body,
        grid=(nr // blk,),
        in_specs=[pl.BlockSpec((blk, f), lambda i: (i, 0)),
                  pl.BlockSpec((blk, 1), lambda i: (i, 0))],
        out_specs=pl.BlockSpec((blk, f), lambda i: (i, 0)),
        out_shape=jax.ShapeDtypeStruct((nr, f), jnp.float32))(xp, d_col)


def _tc_mlp(a0, a1, xs, d_col, W1, b1r, W2p):
    nr, f = xs.shape
    h = W1.shape[1]
    f2 = W2p.shape[1]
    blk = 512

    def body(a0_ref, a1_ref, xs_ref, d_ref, w1_ref, b1_ref, w2_ref, o_ref):
        p1 = (a0_ref[...] + a1_ref[...] + xs_ref[...]) * d_ref[...]
        hh = jnp.dot(p1, w1_ref[...], preferred_element_type=jnp.float32)
        hh = jnp.maximum(hh + b1_ref[...], 0.0)
        g = jnp.dot(hh, w2_ref[...], preferred_element_type=jnp.float32)
        o_ref[...] = g * d_ref[...]

    return pl.pallas_call(
        body,
        grid=(nr // blk,),
        in_specs=[pl.BlockSpec((blk, f), lambda i: (i, 0)),
                  pl.BlockSpec((blk, f), lambda i: (i, 0)),
                  pl.BlockSpec((blk, f), lambda i: (i, 0)),
                  pl.BlockSpec((blk, 1), lambda i: (i, 0)),
                  pl.BlockSpec((f, h), lambda i: (0, 0)),
                  pl.BlockSpec((1, h), lambda i: (0, 0)),
                  pl.BlockSpec((h, f2), lambda i: (0, 0))],
        out_specs=pl.BlockSpec((blk, f2), lambda i: (i, 0)),
        out_shape=jax.ShapeDtypeStruct((nr, f2), jnp.float32))(
            a0, a1, xs, d_col, W1, b1r, W2p)


def _tc_final(agg2s, gstack, dinv, b2s):
    _, hr2, _ = agg2s.shape
    hr = hr2 // 2

    def body(a_ref, g_ref, d_ref, b2_ref, o_ref):
        a = jnp.sum(a_ref[...], axis=0) + g_ref[...]
        d = d_ref[...]
        p0 = a[0:hr, :] * d + b2_ref[0, 0]
        p1 = a[hr:hr2, :] * d + b2_ref[0, 1]
        m = jnp.maximum(p0, p1)
        lse = m + jnp.log(jnp.exp(p0 - m) + jnp.exp(p1 - m))
        o_ref[0] = p0 - lse
        o_ref[1] = p1 - lse

    return pl.pallas_call(
        body,
        in_specs=[pl.BlockSpec(),
                  pl.BlockSpec(),
                  pl.BlockSpec(),
                  pl.BlockSpec(memory_space=pltpu.SMEM)],
        out_shape=jax.ShapeDtypeStruct((2, hr, 128), jnp.float32))(
            agg2s, gstack, dinv, b2s)


def kernel(x, edge_index, W1, b1, W2, b2):
    n, f = x.shape
    h = W1.shape[1]
    c_out = W2.shape[1]
    e = edge_index.shape[1]

    nr = ((n + 2047) // 2048) * 2048
    grp = _NW * _CH
    e_pad = ((e + grp - 1) // grp) * grp
    f2 = 16
    e_w = e_pad // _NW
    u0 = ((2 * e_w * 66) // 100) // 16 * 16
    u1 = 2 * e_w - u0
    e_pad2 = e_pad + (u0 - u1)

    pad_idx = n + jnp.arange(e_pad2 - e, dtype=jnp.int32) % (nr - n)
    src_p = jnp.concatenate([edge_index[0].astype(jnp.int32), pad_idx])
    dst_p = jnp.concatenate([edge_index[1].astype(jnp.int32), pad_idx])
    xp = jnp.pad(x, ((0, nr - n), (0, 0)))
    W2p = jnp.pad(W2, ((0, 0), (0, f2 - c_out)))
    b1r = b1.reshape(1, h)
    b2s = b2.reshape(1, c_out)

    hist = _sc_degree(dst_p, nr, u0, u1).reshape(_NW, nr // 128, 128)
    dinv = _tc_deg_to_dinv(hist)
    d_col = dinv.reshape(nr, 1)
    xs = _tc_scale(xp, d_col)
    agg1 = _sc_scatter_rows(xs, src_p, dst_p)
    gs = _tc_mlp(agg1[0], agg1[1], xs, d_col, W1, b1r, W2p)
    g2 = jnp.transpose(gs[:, :c_out])
    agg2 = _sc_scatter_cols(g2, src_p, dst_p, u0, u1)
    outp = _tc_final(agg2.reshape(_NW, 2 * nr // 128, 128),
                     g2.reshape(2 * nr // 128, 128), dinv, b2s)
    return outp.reshape(2, nr)[:, :n].T

# --- scband reference (transcript-rebuilt; emitter-appended) ---
"""Pipeline reference for scband-sensor-gnn-8392366096604 (READ-ONLY COPY).

The authoritative reference and input builder live on the scoring server;
editing this copy changes nothing except your own understanding.
"""

import jax, jax.numpy as jnp
import numpy as np

N = 10000
E = 320000
F_IN = 128
H = 256
C = 2


def setup_inputs(seed: int = 0) -> dict:
    key = jax.random.key(seed)
    k1, k2, k3, k4, k5, k6 = jax.random.split(key, 6)
    x = jax.random.normal(k1, (N, F_IN), dtype=jnp.float32)
    edge_index = jax.random.randint(k2, (2, E), 0, N)
    # GCNConv layer 1 params (lin weight [F_IN, H], bias [H])
    W1 = jax.random.normal(k3, (F_IN, H), dtype=jnp.float32) / np.sqrt(F_IN)
    b1 = jnp.zeros((H,), dtype=jnp.float32)
    # GCNConv layer 2 params (lin weight [H, C], bias [C])
    W2 = jax.random.normal(k4, (H, C), dtype=jnp.float32) / np.sqrt(H)
    b2 = jnp.zeros((C,), dtype=jnp.float32)
    return {"x": x, "edge_index": edge_index, "W1": W1, "b1": b1, "W2": W2, "b2": b2}


def _gcn_conv(x, edge_index, W, b):
    # Faithful GCNConv: add self-loops, symmetric normalization D^-1/2 A_hat D^-1/2,
    # linear transform, scatter-add aggregation, then bias.
    src = edge_index[0]
    dst = edge_index[1]
    loop = jnp.arange(N, dtype=src.dtype)
    src = jnp.concatenate([src, loop])
    dst = jnp.concatenate([dst, loop])
    h = x @ W
    ones = jnp.ones(src.shape[0], dtype=h.dtype)
    deg = jax.ops.segment_sum(ones, dst, num_segments=N)
    deg_inv_sqrt = jnp.where(deg > 0, 1.0 / jnp.sqrt(deg), 0.0)
    norm = deg_inv_sqrt[src] * deg_inv_sqrt[dst]
    msg = h[src] * norm[:, None]
    out = jax.ops.segment_sum(msg, dst, num_segments=N)
    return out + b


def reference(x, edge_index, W1, b1, W2, b2):
    h = jax.nn.relu(_gcn_conv(x, edge_index, W1, b1))
    # F.dropout with training=self.training; module is in eval mode -> identity
    h = _gcn_conv(h, edge_index, W2, b2)
    return jax.nn.log_softmax(h, axis=1)

if __name__ == "__main__":
    import jax
    _d = setup_inputs()
    print(jax.jit(kernel)(*tuple(_d.values())))

</pallas_src>

<mosaic_0001>
#map = affine_map<(d0, d1) -> (0, 0)>
#map1 = affine_map<(d0, d1) -> (0)>
#map2 = affine_map<(d0, d1) -> (0, 0, 0)>
module attributes {stable_mosaic.version = 14 : i64} {
  func.func @body(%arg0: i32, %arg1: i32, %arg2: memref<2x10240xf32, #tpu.memory_space<hbm>>, %arg3: memref<330048xi32, #tpu.memory_space<hbm>>, %arg4: memref<330048xi32, #tpu.memory_space<hbm>>, %arg5: memref<32x2x10240xf32, #tpu.memory_space<hbm>>, %arg6: memref<10240xf32, #tpu.memory_space<vmem>>, %arg7: memref<10240xf32, #tpu.memory_space<vmem>>, %arg8: memref<10240xf32, #tpu.memory_space<vmem>>, %arg9: memref<10240xf32, #tpu.memory_space<vmem>>, %arg10: memref<13344xi32, #tpu.memory_space<vmem>>, %arg11: memref<13344xi32, #tpu.memory_space<vmem>>) attributes {dimension_semantics = [#tpu.dimension_semantics<core_parallel>, #tpu.dimension_semantics<subcore_parallel>], iteration_bounds = array<i64: 2, 16>, scalar_prefetch = 0 : i64, scratch_operands = 6 : i64, tpu.core_type = #tpu.core_type<sc_vector_subcore>, window_params = [{transform_indices = #map}, {transform_indices = #map1}, {transform_indices = #map1}, {transform_indices = #map2}]} {
    %mul3A = arith.constant 2 : i32
    %mul3A_0 = arith.muli %arg1, %mul3A : i32
    %add3A = arith.addi %mul3A_0, %arg0 : i32
    %broadcast_in_dim3A = arith.constant 0.000000e+00 : f32
    %broadcast_in_dim3A_1 = vector.broadcast %broadcast_in_dim3A : f32 to vector<16xf32>
    %scan3A = arith.constant 0 : i32
    %scan3A_2 = arith.constant 0 : i32
    %scan3A_3 = arith.constant 640 : i32
    %scan3A_4 = arith.addi %scan3A_2, %scan3A_3 : i32
    %scan3A_5 = arith.constant 1 : i32
    scf.for %scan3A_30 = %scan3A_2 to %scan3A_4 step %scan3A_5  : i32 {
      %mul3A_31 = arith.constant 16 : i32
      %mul3A_32 = arith.muli %scan3A_30, %mul3A_31 : i32
      %swap3A = arith.index_cast %mul3A_32 : i32 to index
      %swap3A_33 = tpu.vector_load %arg8[%swap3A] {strides = array<i32>} : memref<10240xf32, #tpu.memory_space<vmem>>, vector<16xf32>,
      tpu.vector_store %arg8[%swap3A], %broadcast_in_dim3A_1 {strides = array<i32>} : memref<10240xf32, #tpu.memory_space<vmem>>, vector<16xf32>,
      %mul3A_34 = arith.constant 16 : i32
      %mul3A_35 = arith.muli %scan3A_30, %mul3A_34 : i32
      %swap3A_36 = arith.index_cast %mul3A_35 : i32 to index
      %swap3A_37 = tpu.vector_load %arg9[%swap3A_36] {strides = array<i32>} : memref<10240xf32, #tpu.memory_space<vmem>>, vector<16xf32>,
      tpu.vector_store %arg9[%swap3A_36], %broadcast_in_dim3A_1 {strides = array<i32>} : memref<10240xf32, #tpu.memory_space<vmem>>, vector<16xf32>,
    }
    %scan3A_6 = arith.constant 640 : i32
    %eq3A = arith.constant 0 : i32
    %eq3A_7 = arith.cmpi eq, %arg0, %eq3A : i32
    %mul3A_8 = arith.constant 13344 : i32
    %mul3A_9 = arith.muli %arg1, %mul3A_8 : i32
    %mul3A_10 = arith.constant 6880 : i32
    %mul3A_11 = arith.muli %arg1, %mul3A_10 : i32
    %add3A_12 = arith.constant 213504 : i32
    %add3A_13 = arith.addi %add3A_12, %mul3A_11 : i32
    %select_n3A = arith.select %eq3A_7, %mul3A_9, %add3A_13 : i32
    %eq3A_14 = arith.constant 0 : i32
    %eq3A_15 = arith.cmpi eq, %arg0, %eq3A_14 : i32
    %jit3A = arith.constant 834 : i32
    %jit3A_16 = arith.constant 430 : i32
    %select_n3A_17 = arith.select %eq3A_15, %jit3A, %jit3A_16 : i32
    %run_scoped3A = arith.constant 0 : i32
    "tpu.region"() ({
      %run_scoped3A_30 = tpu.sem_alloc : memref<!tpu.dma_semaphore, #tpu.memory_space<semaphore_mem>>
      %dma_start3A = arith.constant 0 : i32
      %dma_start3A_31 = tpu.memref_slice %arg2[%run_scoped3A, %dma_start3A] : memref<2x10240xf32, #tpu.memory_space<hbm>> -> memref<1x10240xf32, #tpu.memory_space<hbm>>
      %dma_start3A_32 = tpu.memref_squeeze %dma_start3A_31 : memref<1x10240xf32, #tpu.memory_space<hbm>> -> memref<10240xf32, #tpu.memory_space<hbm>>
      %dma_start3A_33 = arith.constant 0 : i32
      %dma_start3A_34 = tpu.memref_slice %arg2[%run_scoped3A, %dma_start3A_33] : memref<2x10240xf32, #tpu.memory_space<hbm>> -> memref<1x10240xf32, #tpu.memory_space<hbm>>
      %dma_start3A_35 = tpu.memref_squeeze %dma_start3A_34 : memref<1x10240xf32, #tpu.memory_space<hbm>> -> memref<10240xf32, #tpu.memory_space<hbm>>
      tpu.enqueue_dma source(%dma_start3A_35 : memref<10240xf32, #tpu.memory_space<hbm>>) target(%arg6 : memref<10240xf32, #tpu.memory_space<vmem>>) target_semaphore(%run_scoped3A_30 : memref<!tpu.dma_semaphore, #tpu.memory_space<semaphore_mem>>)
      %dma_wait3A = arith.constant 0 : i32
      %dma_wait3A_36 = tpu.memref_slice %arg2[%run_scoped3A, %dma_wait3A] : memref<2x10240xf32, #tpu.memory_space<hbm>> -> memref<1x10240xf32, #tpu.memory_space<hbm>>
      %dma_wait3A_37 = tpu.memref_squeeze %dma_wait3A_36 : memref<1x10240xf32, #tpu.memory_space<hbm>> -> memref<10240xf32, #tpu.memory_space<hbm>>
      %dma_wait3A_38 = arith.constant 0 : i32
      %dma_wait3A_39 = tpu.memref_slice %arg2[%run_scoped3A, %dma_wait3A_38] : memref<2x10240xf32, #tpu.memory_space<hbm>> -> memref<1x10240xf32, #tpu.memory_space<hbm>>
      %dma_wait3A_40 = tpu.memref_squeeze %dma_wait3A_39 : memref<1x10240xf32, #tpu.memory_space<hbm>> -> memref<10240xf32, #tpu.memory_space<hbm>>
      tpu.wait_dma2 semaphore(%run_scoped3A_30 : memref<!tpu.dma_semaphore, #tpu.memory_space<semaphore_mem>>) src(%dma_wait3A_40 : memref<10240xf32, #tpu.memory_space<hbm>>) dst(%arg6 : memref<10240xf32, #tpu.memory_space<vmem>>)
      tpu.yield
    }) : () -> ()
    %run_scoped3A_18 = arith.constant 1 : i32
    "tpu.region"() ({
      %run_scoped3A_30 = tpu.sem_alloc : memref<!tpu.dma_semaphore, #tpu.memory_space<semaphore_mem>>
      %dma_start3A = arith.constant 0 : i32
      %dma_start3A_31 = tpu.memref_slice %arg2[%run_scoped3A_18, %dma_start3A] : memref<2x10240xf32, #tpu.memory_space<hbm>> -> memref<1x10240xf32, #tpu.memory_space<hbm>>
      %dma_start3A_32 = tpu.memref_squeeze %dma_start3A_31 : memref<1x10240xf32, #tpu.memory_space<hbm>> -> memref<10240xf32, #tpu.memory_space<hbm>>
      %dma_start3A_33 = arith.constant 0 : i32
      %dma_start3A_34 = tpu.memref_slice %arg2[%run_scoped3A_18, %dma_start3A_33] : memref<2x10240xf32, #tpu.memory_space<hbm>> -> memref<1x10240xf32, #tpu.memory_space<hbm>>
      %dma_start3A_35 = tpu.memref_squeeze %dma_start3A_34 : memref<1x10240xf32, #tpu.memory_space<hbm>> -> memref<10240xf32, #tpu.memory_space<hbm>>
      tpu.enqueue_dma source(%dma_start3A_35 : memref<10240xf32, #tpu.memory_space<hbm>>) target(%arg7 : memref<10240xf32, #tpu.memory_space<vmem>>) target_semaphore(%run_scoped3A_30 : memref<!tpu.dma_semaphore, #tpu.memory_space<semaphore_mem>>)
      %dma_wait3A = arith.constant 0 : i32
      %dma_wait3A_36 = tpu.memref_slice %arg2[%run_scoped3A_18, %dma_wait3A] : memref<2x10240xf32, #tpu.memory_space<hbm>> -> memref<1x10240xf32, #tpu.memory_space<hbm>>
      %dma_wait3A_37 = tpu.memref_squeeze %dma_wait3A_36 : memref<1x10240xf32, #tpu.memory_space<hbm>> -> memref<10240xf32, #tpu.memory_space<hbm>>
      %dma_wait3A_38 = arith.constant 0 : i32
      %dma_wait3A_39 = tpu.memref_slice %arg2[%run_scoped3A_18, %dma_wait3A_38] : memref<2x10240xf32, #tpu.memory_space<hbm>> -> memref<1x10240xf32, #tpu.memory_space<hbm>>
      %dma_wait3A_40 = tpu.memref_squeeze %dma_wait3A_39 : memref<1x10240xf32, #tpu.memory_space<hbm>> -> memref<10240xf32, #tpu.memory_space<hbm>>
      tpu.wait_dma2 semaphore(%run_scoped3A_30 : memref<!tpu.dma_semaphore, #tpu.memory_space<semaphore_mem>>) src(%dma_wait3A_40 : memref<10240xf32, #tpu.memory_space<hbm>>) dst(%arg7 : memref<10240xf32, #tpu.memory_space<vmem>>)
      tpu.yield
    }) : () -> ()
    "tpu.region"() ({
      %run_scoped3A_30 = tpu.sem_alloc : memref<!tpu.dma_semaphore, #tpu.memory_space<semaphore_mem>>
      %dma_start3A = tpu.memref_slice %arg3[%select_n3A] : memref<330048xi32, #tpu.memory_space<hbm>> -> memref<13344xi32, #tpu.memory_space<hbm>>
      %dma_start3A_31 = tpu.memref_slice %arg3[%select_n3A] : memref<330048xi32, #tpu.memory_space<hbm>> -> memref<13344xi32, #tpu.memory_space<hbm>>
      tpu.enqueue_dma source(%dma_start3A_31 : memref<13344xi32, #tpu.memory_space<hbm>>) target(%arg10 : memref<13344xi32, #tpu.memory_space<vmem>>) target_semaphore(%run_scoped3A_30 : memref<!tpu.dma_semaphore, #tpu.memory_space<semaphore_mem>>)
      %dma_wait3A = tpu.memref_slice %arg3[%select_n3A] : memref<330048xi32, #tpu.memory_space<hbm>> -> memref<13344xi32, #tpu.memory_space<hbm>>
      %dma_wait3A_32 = tpu.memref_slice %arg3[%select_n3A] : memref<330048xi32, #tpu.memory_space<hbm>> -> memref<13344xi32, #tpu.memory_space<hbm>>
      tpu.wait_dma2 semaphore(%run_scoped3A_30 : memref<!tpu.dma_semaphore, #tpu.memory_space<semaphore_mem>>) src(%dma_wait3A_32 : memref<13344xi32, #tpu.memory_space<hbm>>) dst(%arg10 : memref<13344xi32, #tpu.memory_space<vmem>>)
      tpu.yield
    }) : () -> ()
    "tpu.region"() ({
      %run_scoped3A_30 = tpu.sem_alloc : memref<!tpu.dma_semaphore, #tpu.memory_space<semaphore_mem>>
      %dma_start3A = tpu.memref_slice %arg4[%select_n3A] : memref<330048xi32, #tpu.memory_space<hbm>> -> memref<13344xi32, #tpu.memory_space<hbm>>
      %dma_start3A_31 = tpu.memref_slice %arg4[%select_n3A] : memref<330048xi32, #tpu.memory_space<hbm>> -> memref<13344xi32, #tpu.memory_space<hbm>>
      tpu.enqueue_dma source(%dma_start3A_31 : memref<13344xi32, #tpu.memory_space<hbm>>) target(%arg11 : memref<13344xi32, #tpu.memory_space<vmem>>) target_semaphore(%run_scoped3A_30 : memref<!tpu.dma_semaphore, #tpu.memory_space<semaphore_mem>>)
      %dma_wait3A = tpu.memref_slice %arg4[%select_n3A] : memref<330048xi32, #tpu.memory_space<hbm>> -> memref<13344xi32, #tpu.memory_space<hbm>>
      %dma_wait3A_32 = tpu.memref_slice %arg4[%select_n3A] : memref<330048xi32, #tpu.memory_space<hbm>> -> memref<13344xi32, #tpu.memory_space<hbm>>
      tpu.wait_dma2 semaphore(%run_scoped3A_30 : memref<!tpu.dma_semaphore, #tpu.memory_space<semaphore_mem>>) src(%dma_wait3A_32 : memref<13344xi32, #tpu.memory_space<hbm>>) dst(%arg11 : memref<13344xi32, #tpu.memory_space<vmem>>)
      tpu.yield
    }) : () -> ()
    %while3A = arith.constant 0 : i32
    %while3A_19 = arith.constant 0 : i32
    %while3A_20 = arith.subi %select_n3A_17, %while3A_19 : i32
    %while3A_21 = arith.addi %while3A_19, %while3A_20 : i32
    %while3A_22 = arith.constant 1 : i32
    %while3A_23 = arith.divsi %while3A_20, %while3A_22 : i32
    %while3A_24 = arith.muli %while3A_23, %while3A_22 : i32
    %while3A_25 = arith.addi %while3A_19, %while3A_24 : i32
    %while3A_26 = arith.constant 1 : i32
    scf.for %while3A_30 = %while3A_19 to %while3A_25 step %while3A_26  : i32 {
      %mul3A_31 = arith.constant 16 : i32
      %mul3A_32 = arith.muli %while3A_30, %mul3A_31 : i32
      %get3A = arith.index_cast %mul3A_32 : i32 to index
      %get3A_33 = tpu.vector_load %arg10[%get3A] {strides = array<i32>} : memref<13344xi32, #tpu.memory_space<vmem>>, vector<16xi32>,
      %mul3A_34 = arith.constant 16 : i32
      %mul3A_35 = arith.muli %while3A_30, %mul3A_34 : i32
      %get3A_36 = arith.index_cast %mul3A_35 : i32 to index
      %get3A_37 = tpu.vector_load %arg11[%get3A_36] {strides = array<i32>} : memref<13344xi32, #tpu.memory_space<vmem>>, vector<16xi32>,
      %gather3A = tpu.vector_load_idx %arg6[%get3A_33] : memref<10240xf32, #tpu.memory_space<vmem>>[vector<16xi32>], vector<16xf32>,
      %gather3A_38 = tpu.vector_load_idx %arg7[%get3A_33] : memref<10240xf32, #tpu.memory_space<vmem>>[vector<16xi32>], vector<16xf32>,
      tpu.vector_store_idx %arg8[%get3A_37], %gather3A {add = true} : memref<10240xf32, #tpu.memory_space<vmem>>[vector<16xi32>], vector<16xf32>,
      tpu.vector_store_idx %arg9[%get3A_37], %gather3A_38 {add = true} : memref<10240xf32, #tpu.memory_space<vmem>>[vector<16xi32>], vector<16xf32>,
    }
    %while3A_27 = arith.constant 1 : i32
    scf.for %while3A_30 = %while3A_25 to %while3A_21 step %while3A_27  : i32 {
      %mul3A_31 = arith.constant 16 : i32
      %mul3A_32 = arith.muli %while3A_30, %mul3A_31 : i32
      %get3A = arith.index_cast %mul3A_32 : i32 to index
      %get3A_33 = tpu.vector_load %arg10[%get3A] {strides = array<i32>} : memref<13344xi32, #tpu.memory_space<vmem>>, vector<16xi32>,
      %mul3A_34 = arith.constant 16 : i32
      %mul3A_35 = arith.muli %while3A_30, %mul3A_34 : i32
      %get3A_36 = arith.index_cast %mul3A_35 : i32 to index
      %get3A_37 = tpu.vector_load %arg11[%get3A_36] {strides = array<i32>} : memref<13344xi32, #tpu.memory_space<vmem>>, vector<16xi32>,
      %gather3A = tpu.vector_load_idx %arg6[%get3A_33] : memref<10240xf32, #tpu.memory_space<vmem>>[vector<16xi32>], vector<16xf32>,
      %gather3A_38 = tpu.vector_load_idx %arg7[%get3A_33] : memref<10240xf32, #tpu.memory_space<vmem>>[vector<16xi32>], vector<16xf32>,
      tpu.vector_store_idx %arg8[%get3A_37], %gather3A {add = true} : memref<10240xf32, #tpu.memory_space<vmem>>[vector<16xi32>], vector<16xf32>,
      tpu.vector_store_idx %arg9[%get3A_37], %gather3A_38 {add = true} : memref<10240xf32, #tpu.memory_space<vmem>>[vector<16xi32>], vector<16xf32>,
    }
    %run_scoped3A_28 = arith.constant 0 : i32
    "tpu.region"() ({
      %run_scoped3A_30 = tpu.sem_alloc : memref<!tpu.dma_semaphore, #tpu.memory_space<semaphore_mem>>
      %dma_start3A = arith.constant 0 : i32
      %dma_start3A_31 = tpu.memref_slice %arg5[%add3A, %run_scoped3A_28, %dma_start3A] : memref<32x2x10240xf32, #tpu.memory_space<hbm>> -> memref<1x1x10240xf32, #tpu.memory_space<hbm>>
      %dma_start3A_32 = tpu.memref_squeeze %dma_start3A_31 : memref<1x1x10240xf32, #tpu.memory_space<hbm>> -> memref<10240xf32, #tpu.memory_space<hbm>>
      %dma_start3A_33 = arith.constant 0 : i32
      %dma_start3A_34 = tpu.memref_slice %arg5[%add3A, %run_scoped3A_28, %dma_start3A_33] : memref<32x2x10240xf32, #tpu.memory_space<hbm>> -> memref<1x1x10240xf32, #tpu.memory_space<hbm>>
      %dma_start3A_35 = tpu.memref_squeeze %dma_start3A_34 : memref<1x1x10240xf32, #tpu.memory_space<hbm>> -> memref<10240xf32, #tpu.memory_space<hbm>>
      tpu.enqueue_dma source(%arg8 : memref<10240xf32, #tpu.memory_space<vmem>>) target(%dma_start3A_35 : memref<10240xf32, #tpu.memory_space<hbm>>) target_semaphore(%run_scoped3A_30 : memref<!tpu.dma_semaphore, #tpu.memory_space<semaphore_mem>>)
      %dma_wait3A = arith.constant 0 : i32
      %dma_wait3A_36 = tpu.memref_slice %arg5[%add3A, %run_scoped3A_28, %dma_wait3A] : memref<32x2x10240xf32, #tpu.memory_space<hbm>> -> memref<1x1x10240xf32, #tpu.memory_space<hbm>>
      %dma_wait3A_37 = tpu.memref_squeeze %dma_wait3A_36 : memref<1x1x10240xf32, #tpu.memory_space<hbm>> -> memref<10240xf32, #tpu.memory_space<hbm>>
      %dma_wait3A_38 = arith.constant 0 : i32
      %dma_wait3A_39 = tpu.memref_slice %arg5[%add3A, %run_scoped3A_28, %dma_wait3A_38] : memref<32x2x10240xf32, #tpu.memory_space<hbm>> -> memref<1x1x10240xf32, #tpu.memory_space<hbm>>
      %dma_wait3A_40 = tpu.memref_squeeze %dma_wait3A_39 : memref<1x1x10240xf32, #tpu.memory_space<hbm>> -> memref<10240xf32, #tpu.memory_space<hbm>>
      tpu.wait_dma2 semaphore(%run_scoped3A_30 : memref<!tpu.dma_semaphore, #tpu.memory_space<semaphore_mem>>) src(%arg8 : memref<10240xf32, #tpu.memory_space<vmem>>) dst(%dma_wait3A_40 : memref<10240xf32, #tpu.memory_space<hbm>>)
      tpu.yield
    }) : () -> ()
    %run_scoped3A_29 = arith.constant 1 : i32
    "tpu.region"() ({
      %run_scoped3A_30 = tpu.sem_alloc : memref<!tpu.dma_semaphore, #tpu.memory_space<semaphore_mem>>
      %dma_start3A = arith.constant 0 : i32
      %dma_start3A_31 = tpu.memref_slice %arg5[%add3A, %run_scoped3A_29, %dma_start3A] : memref<32x2x10240xf32, #tpu.memory_space<hbm>> -> memref<1x1x10240xf32, #tpu.memory_space<hbm>>
      %dma_start3A_32 = tpu.memref_squeeze %dma_start3A_31 : memref<1x1x10240xf32, #tpu.memory_space<hbm>> -> memref<10240xf32, #tpu.memory_space<hbm>>
      %dma_start3A_33 = arith.constant 0 : i32
      %dma_start3A_34 = tpu.memref_slice %arg5[%add3A, %run_scoped3A_29, %dma_start3A_33] : memref<32x2x10240xf32, #tpu.memory_space<hbm>> -> memref<1x1x10240xf32, #tpu.memory_space<hbm>>
      %dma_start3A_35 = tpu.memref_squeeze %dma_start3A_34 : memref<1x1x10240xf32, #tpu.memory_space<hbm>> -> memref<10240xf32, #tpu.memory_space<hbm>>
      tpu.enqueue_dma source(%arg9 : memref<10240xf32, #tpu.memory_space<vmem>>) target(%dma_start3A_35 : memref<10240xf32, #tpu.memory_space<hbm>>) target_semaphore(%run_scoped3A_30 : memref<!tpu.dma_semaphore, #tpu.memory_space<semaphore_mem>>)
      %dma_wait3A = arith.constant 0 : i32
      %dma_wait3A_36 = tpu.memref_slice %arg5[%add3A, %run_scoped3A_29, %dma_wait3A] : memref<32x2x10240xf32, #tpu.memory_space<hbm>> -> memref<1x1x10240xf32, #tpu.memory_space<hbm>>
      %dma_wait3A_37 = tpu.memref_squeeze %dma_wait3A_36 : memref<1x1x10240xf32, #tpu.memory_space<hbm>> -> memref<10240xf32, #tpu.memory_space<hbm>>
      %dma_wait3A_38 = arith.constant 0 : i32
      %dma_wait3A_39 = tpu.memref_slice %arg5[%add3A, %run_scoped3A_29, %dma_wait3A_38] : memref<32x2x10240xf32, #tpu.memory_space<hbm>> -> memref<1x1x10240xf32, #tpu.memory_space<hbm>>
      %dma_wait3A_40 = tpu.memref_squeeze %dma_wait3A_39 : memref<1x1x10240xf32, #tpu.memory_space<hbm>> -> memref<10240xf32, #tpu.memory_space<hbm>>
      tpu.wait_dma2 semaphore(%run_scoped3A_30 : memref<!tpu.dma_semaphore, #tpu.memory_space<semaphore_mem>>) src(%arg9 : memref<10240xf32, #tpu.memory_space<vmem>>) dst(%dma_wait3A_40 : memref<10240xf32, #tpu.memory_space<hbm>>)
      tpu.yield
    }) : () -> ()
    return
  }
}

#map = affine_map<(d0, d1) -> (0)>
#map1 = affine_map<(d0, d1) -> (0, 0)>
module attributes {stable_mosaic.version = 14 : i64} {
  func.func @body(%arg0: i32, %arg1: i32, %arg2: memref<330048xi32, #tpu.memory_space<hbm>>, %arg3: memref<32x10240xf32, #tpu.memory_space<hbm>>, %arg4: memref<13344xi32, #tpu.memory_space<vmem>>, %arg5: memref<10240xf32, #tpu.memory_space<vmem>>) attributes {dimension_semantics = [#tpu.dimension_semantics<core_parallel>, #tpu.dimension_semantics<subcore_parallel>], iteration_bounds = array<i64: 2, 16>, scalar_prefetch = 0 : i64, scratch_operands = 2 : i64, tpu.core_type = #tpu.core_type<sc_vector_subcore>, window_params = [{transform_indices = #map}, {transform_indices = #map1}]} {
    %mul3A = arith.constant 2 : i32
    %mul3A_0 = arith.muli %arg1, %mul3A : i32
    %add3A = arith.addi %mul3A_0, %arg0 : i32
    %broadcast_in_dim3A = arith.constant 0.000000e+00 : f32
    %broadcast_in_dim3A_1 = vector.broadcast %broadcast_in_dim3A : f32 to vector<16xf32>
    %scan3A = arith.constant 0 : i32
    %scan3A_2 = arith.constant 0 : i32
    %scan3A_3 = arith.constant 640 : i32
    %scan3A_4 = arith.addi %scan3A_2, %scan3A_3 : i32
    %scan3A_5 = arith.constant 1 : i32
    scf.for %scan3A_29 = %scan3A_2 to %scan3A_4 step %scan3A_5  : i32 {
      %mul3A_30 = arith.constant 16 : i32
      %mul3A_31 = arith.muli %scan3A_29, %mul3A_30 : i32
      %swap3A = arith.index_cast %mul3A_31 : i32 to index
      %swap3A_32 = tpu.vector_load %arg5[%swap3A] {strides = array<i32>} : memref<10240xf32, #tpu.memory_space<vmem>>, vector<16xf32>,
      tpu.vector_store %arg5[%swap3A], %broadcast_in_dim3A_1 {strides = array<i32>} : memref<10240xf32, #tpu.memory_space<vmem>>, vector<16xf32>,
    }
    %scan3A_6 = arith.constant 640 : i32
    %eq3A = arith.constant 0 : i32
    %eq3A_7 = arith.cmpi eq, %arg0, %eq3A : i32
    %mul3A_8 = arith.constant 13344 : i32
    %mul3A_9 = arith.muli %arg1, %mul3A_8 : i32
    %mul3A_10 = arith.constant 6880 : i32
    %mul3A_11 = arith.muli %arg1, %mul3A_10 : i32
    %add3A_12 = arith.constant 213504 : i32
    %add3A_13 = arith.addi %add3A_12, %mul3A_11 : i32
    %select_n3A = arith.select %eq3A_7, %mul3A_9, %add3A_13 : i32
    %eq3A_14 = arith.constant 0 : i32
    %eq3A_15 = arith.cmpi eq, %arg0, %eq3A_14 : i32
    %jit3A = arith.constant 834 : i32
    %jit3A_16 = arith.constant 430 : i32
    %select_n3A_17 = arith.select %eq3A_15, %jit3A, %jit3A_16 : i32
    "tpu.region"() ({
      %run_scoped3A = tpu.sem_alloc : memref<!tpu.dma_semaphore, #tpu.memory_space<semaphore_mem>>
      %dma_start3A = tpu.memref_slice %arg2[%select_n3A] : memref<330048xi32, #tpu.memory_space<hbm>> -> memref<13344xi32, #tpu.memory_space<hbm>>
      %dma_start3A_29 = tpu.memref_slice %arg2[%select_n3A] : memref<330048xi32, #tpu.memory_space<hbm>> -> memref<13344xi32, #tpu.memory_space<hbm>>
      tpu.enqueue_dma source(%dma_start3A_29 : memref<13344xi32, #tpu.memory_space<hbm>>) target(%arg4 : memref<13344xi32, #tpu.memory_space<vmem>>) target_semaphore(%run_scoped3A : memref<!tpu.dma_semaphore, #tpu.memory_space<semaphore_mem>>)
      %dma_wait3A = tpu.memref_slice %arg2[%select_n3A] : memref<330048xi32, #tpu.memory_space<hbm>> -> memref<13344xi32, #tpu.memory_space<hbm>>
      %dma_wait3A_30 = tpu.memref_slice %arg2[%select_n3A] : memref<330048xi32, #tpu.memory_space<hbm>> -> memref<13344xi32, #tpu.memory_space<hbm>>
      tpu.wait_dma2 semaphore(%run_scoped3A : memref<!tpu.dma_semaphore, #tpu.memory_space<semaphore_mem>>) src(%dma_wait3A_30 : memref<13344xi32, #tpu.memory_space<hbm>>) dst(%arg4 : memref<13344xi32, #tpu.memory_space<vmem>>)
      tpu.yield
    }) : () -> ()
    %broadcast_in_dim3A_18 = arith.constant 1.000000e+00 : f32
    %broadcast_in_dim3A_19 = vector.broadcast %broadcast_in_dim3A_18 : f32 to vector<16xf32>
    %while3A = arith.constant 0 : i32
    %while3A_20 = arith.constant 0 : i32
    %while3A_21 = arith.subi %select_n3A_17, %while3A_20 : i32
    %while3A_22 = arith.addi %while3A_20, %while3A_21 : i32
    %while3A_23 = arith.constant 1 : i32
    %while3A_24 = arith.divsi %while3A_21, %while3A_23 : i32
    %while3A_25 = arith.muli %while3A_24, %while3A_23 : i32
    %while3A_26 = arith.addi %while3A_20, %while3A_25 : i32
    %while3A_27 = arith.constant 1 : i32
    scf.for %while3A_29 = %while3A_20 to %while3A_26 step %while3A_27  : i32 {
      %mul3A_30 = arith.constant 16 : i32
      %mul3A_31 = arith.muli %while3A_29, %mul3A_30 : i32
      %get3A = arith.index_cast %mul3A_31 : i32 to index
      %get3A_32 = tpu.vector_load %arg4[%get3A] {strides = array<i32>} : memref<13344xi32, #tpu.memory_space<vmem>>, vector<16xi32>,
      tpu.vector_store_idx %arg5[%get3A_32], %broadcast_in_dim3A_19 {add = true} : memref<10240xf32, #tpu.memory_space<vmem>>[vector<16xi32>], vector<16xf32>,
    }
    %while3A_28 = arith.constant 1 : i32
    scf.for %while3A_29 = %while3A_26 to %while3A_22 step %while3A_28  : i32 {
      %mul3A_30 = arith.constant 16 : i32
      %mul3A_31 = arith.muli %while3A_29, %mul3A_30 : i32
      %get3A = arith.index_cast %mul3A_31 : i32 to index
      %get3A_32 = tpu.vector_load %arg4[%get3A] {strides = array<i32>} : memref<13344xi32, #tpu.memory_space<vmem>>, vector<16xi32>,
      tpu.vector_store_idx %arg5[%get3A_32], %broadcast_in_dim3A_19 {add = true} : memref<10240xf32, #tpu.memory_space<vmem>>[vector<16xi32>], vector<16xf32>,
    }
    "tpu.region"() ({
      %run_scoped3A = tpu.sem_alloc : memref<!tpu.dma_semaphore, #tpu.memory_space<semaphore_mem>>
      %dma_start3A = arith.constant 0 : i32
      %dma_start3A_29 = tpu.memref_slice %arg3[%add3A, %dma_start3A] : memref<32x10240xf32, #tpu.memory_space<hbm>> -> memref<1x10240xf32, #tpu.memory_space<hbm>>
      %dma_start3A_30 = tpu.memref_squeeze %dma_start3A_29 : memref<1x10240xf32, #tpu.memory_space<hbm>> -> memref<10240xf32, #tpu.memory_space<hbm>>
      %dma_start3A_31 = arith.constant 0 : i32
      %dma_start3A_32 = tpu.memref_slice %arg3[%add3A, %dma_start3A_31] : memref<32x10240xf32, #tpu.memory_space<hbm>> -> memref<1x10240xf32, #tpu.memory_space<hbm>>
      %dma_start3A_33 = tpu.memref_squeeze %dma_start3A_32 : memref<1x10240xf32, #tpu.memory_space<hbm>> -> memref<10240xf32, #tpu.memory_space<hbm>>
      tpu.enqueue_dma source(%arg5 : memref<10240xf32, #tpu.memory_space<vmem>>) target(%dma_start3A_33 : memref<10240xf32, #tpu.memory_space<hbm>>) target_semaphore(%run_scoped3A : memref<!tpu.dma_semaphore, #tpu.memory_space<semaphore_mem>>)
      %dma_wait3A = arith.constant 0 : i32
      %dma_wait3A_34 = tpu.memref_slice %arg3[%add3A, %dma_wait3A] : memref<32x10240xf32, #tpu.memory_space<hbm>> -> memref<1x10240xf32, #tpu.memory_space<hbm>>
      %dma_wait3A_35 = tpu.memref_squeeze %dma_wait3A_34 : memref<1x10240xf32, #tpu.memory_space<hbm>> -> memref<10240xf32, #tpu.memory_space<hbm>>
      %dma_wait3A_36 = arith.constant 0 : i32
      %dma_wait3A_37 = tpu.memref_slice %arg3[%add3A, %dma_wait3A_36] : memref<32x10240xf32, #tpu.memory_space<hbm>> -> memref<1x10240xf32, #tpu.memory_space<hbm>>
      %dma_wait3A_38 = tpu.memref_squeeze %dma_wait3A_37 : memref<1x10240xf32, #tpu.memory_space<hbm>> -> memref<10240xf32, #tpu.memory_space<hbm>>
      tpu.wait_dma2 semaphore(%run_scoped3A : memref<!tpu.dma_semaphore, #tpu.memory_space<semaphore_mem>>) src(%arg5 : memref<10240xf32, #tpu.memory_space<vmem>>) dst(%dma_wait3A_38 : memref<10240xf32, #tpu.memory_space<hbm>>)
      tpu.yield
    }) : () -> ()
    return
  }
}

#map = affine_map<(d0, d1) -> (0, 0)>
#map1 = affine_map<(d0, d1) -> (0)>
#map2 = affine_map<(d0, d1) -> (0, 0, 0)>
module attributes {stable_mosaic.version = 14 : i64} {
  func.func @body(%arg0: i32, %arg1: i32, %arg2: memref<10240x128xf32, #tpu.memory_space<hbm>>, %arg3: memref<330048xi32, #tpu.memory_space<hbm>>, %arg4: memref<330048xi32, #tpu.memory_space<hbm>>, %arg5: memref<2x10240x128xf32, #tpu.memory_space<hbm>>, %arg6: memref<128xi32, #tpu.memory_space<vmem>>, %arg7: memref<128xi32, #tpu.memory_space<vmem>>, %arg8: memref<128x128xf32, #tpu.memory_space<vmem>>, %arg9: memref<10240x128xf32, #tpu.memory_space<vmem_shared>>, %arg10: memref<!tpu.dma_semaphore, #tpu.memory_space<semaphore_mem>>, %arg11: memref<!tpu.dma_semaphore, #tpu.memory_space<semaphore_mem>>) attributes {dimension_semantics = [#tpu.dimension_semantics<core_parallel>, #tpu.dimension_semantics<subcore_parallel>], iteration_bounds = array<i64: 2, 16>, scalar_prefetch = 0 : i64, scratch_operands = 6 : i64, tpu.core_type = #tpu.core_type<sc_vector_subcore>, window_params = [{transform_indices = #map}, {transform_indices = #map1}, {transform_indices = #map1}, {transform_indices = #map2}]} {
    %mul3A = arith.constant 2 : i32
    %mul3A_0 = arith.muli %arg1, %mul3A : i32
    %add3A = arith.addi %mul3A_0, %arg0 : i32
    %broadcast_in_dim3A = arith.constant 0.000000e+00 : f32
    %broadcast_in_dim3A_1 = vector.broadcast %broadcast_in_dim3A : f32 to vector<16xf32>
    %scan3A = arith.constant 0 : i32
    %scan3A_2 = arith.constant 0 : i32
    %scan3A_3 = arith.constant 128 : i32
    %scan3A_4 = arith.addi %scan3A_2, %scan3A_3 : i32
    %scan3A_5 = arith.constant 1 : i32
    scf.for %scan3A_42 = %scan3A_2 to %scan3A_4 step %scan3A_5  : i32 {
      %swap3A = arith.index_cast %scan3A_42 : i32 to index
      %swap3A_43 = arith.constant 0 : index
      %swap3A_44 = tpu.vector_load %arg8[%swap3A, %swap3A_43] {strides = array<i32>} : memref<128x128xf32, #tpu.memory_space<vmem>>, vector<16xf32>,
      tpu.vector_store %arg8[%swap3A, %swap3A_43], %broadcast_in_dim3A_1 {strides = array<i32>} : memref<128x128xf32, #tpu.memory_space<vmem>>, vector<16xf32>,
      %swap3A_45 = arith.index_cast %scan3A_42 : i32 to index
      %swap3A_46 = arith.constant 16 : index
      %swap3A_47 = tpu.vector_load %arg8[%swap3A_45, %swap3A_46] {strides = array<i32>} : memref<128x128xf32, #tpu.memory_space<vmem>>, vector<16xf32>,
      tpu.vector_store %arg8[%swap3A_45, %swap3A_46], %broadcast_in_dim3A_1 {strides = array<i32>} : memref<128x128xf32, #tpu.memory_space<vmem>>, vector<16xf32>,
      %swap3A_48 = arith.index_cast %scan3A_42 : i32 to index
      %swap3A_49 = arith.constant 32 : index
      %swap3A_50 = tpu.vector_load %arg8[%swap3A_48, %swap3A_49] {strides = array<i32>} : memref<128x128xf32, #tpu.memory_space<vmem>>, vector<16xf32>,
      tpu.vector_store %arg8[%swap3A_48, %swap3A_49], %broadcast_in_dim3A_1 {strides = array<i32>} : memref<128x128xf32, #tpu.memory_space<vmem>>, vector<16xf32>,
      %swap3A_51 = arith.index_cast %scan3A_42 : i32 to index
      %swap3A_52 = arith.constant 48 : index
      %swap3A_53 = tpu.vector_load %arg8[%swap3A_51, %swap3A_52] {strides = array<i32>} : memref<128x128xf32, #tpu.memory_space<vmem>>, vector<16xf32>,
      tpu.vector_store %arg8[%swap3A_51, %swap3A_52], %broadcast_in_dim3A_1 {strides = array<i32>} : memref<128x128xf32, #tpu.memory_space<vmem>>, vector<16xf32>,
      %swap3A_54 = arith.index_cast %scan3A_42 : i32 to index
      %swap3A_55 = arith.constant 64 : index
      %swap3A_56 = tpu.vector_load %arg8[%swap3A_54, %swap3A_55] {strides = array<i32>} : memref<128x128xf32, #tpu.memory_space<vmem>>, vector<16xf32>,
      tpu.vector_store %arg8[%swap3A_54, %swap3A_55], %broadcast_in_dim3A_1 {strides = array<i32>} : memref<128x128xf32, #tpu.memory_space<vmem>>, vector<16xf32>,
      %swap3A_57 = arith.index_cast %scan3A_42 : i32 to index
      %swap3A_58 = arith.constant 80 : index
      %swap3A_59 = tpu.vector_load %arg8[%swap3A_57, %swap3A_58] {strides = array<i32>} : memref<128x128xf32, #tpu.memory_space<vmem>>, vector<16xf32>,
      tpu.vector_store %arg8[%swap3A_57, %swap3A_58], %broadcast_in_dim3A_1 {strides = array<i32>} : memref<128x128xf32, #tpu.memory_space<vmem>>, vector<16xf32>,
      %swap3A_60 = arith.index_cast %scan3A_42 : i32 to index
      %swap3A_61 = arith.constant 96 : index
      %swap3A_62 = tpu.vector_load %arg8[%swap3A_60, %swap3A_61] {strides = array<i32>} : memref<128x128xf32, #tpu.memory_space<vmem>>, vector<16xf32>,
      tpu.vector_store %arg8[%swap3A_60, %swap3A_61], %broadcast_in_dim3A_1 {strides = array<i32>} : memref<128x128xf32, #tpu.memory_space<vmem>>, vector<16xf32>,
      %swap3A_63 = arith.index_cast %scan3A_42 : i32 to index
      %swap3A_64 = arith.constant 112 : index
      %swap3A_65 = tpu.vector_load %arg8[%swap3A_63, %swap3A_64] {strides = array<i32>} : memref<128x128xf32, #tpu.memory_space<vmem>>, vector<16xf32>,
      tpu.vector_store %arg8[%swap3A_63, %swap3A_64], %broadcast_in_dim3A_1 {strides = array<i32>} : memref<128x128xf32, #tpu.memory_space<vmem>>, vector<16xf32>,
    }
    %scan3A_6 = arith.constant 128 : i32
    %mul3A_7 = arith.constant 640 : i32
    %mul3A_8 = arith.muli %arg1, %mul3A_7 : i32
    %add3A_9 = arith.constant 0 : i32
    %add3A_10 = arith.addi %mul3A_8, %add3A_9 : i32
    "tpu.region"() ({
      %run_scoped3A = tpu.sem_alloc : memref<!tpu.dma_semaphore, #tpu.memory_space<semaphore_mem>>
      %dma_start3A = arith.constant 0 : i32
      %dma_start3A_42 = tpu.memref_slice %arg9[%add3A_10, %dma_start3A] : memref<10240x128xf32, #tpu.memory_space<vmem_shared>> -> memref<128x128xf32, #tpu.memory_space<vmem_shared>>
      %dma_start3A_43 = arith.constant 0 : i32
      %dma_start3A_44 = tpu.memref_slice %arg9[%add3A_10, %dma_start3A_43] : memref<10240x128xf32, #tpu.memory_space<vmem_shared>> -> memref<128x128xf32, #tpu.memory_space<vmem_shared>>
      tpu.enqueue_dma source(%arg8 : memref<128x128xf32, #tpu.memory_space<vmem>>) target(%dma_start3A_44 : memref<128x128xf32, #tpu.memory_space<vmem_shared>>) target_semaphore(%run_scoped3A : memref<!tpu.dma_semaphore, #tpu.memory_space<semaphore_mem>>)
      %dma_wait3A = arith.constant 0 : i32
      %dma_wait3A_45 = tpu.memref_slice %arg9[%add3A_10, %dma_wait3A] : memref<10240x128xf32, #tpu.memory_space<vmem_shared>> -> memref<128x128xf32, #tpu.memory_space<vmem_shared>>
      %dma_wait3A_46 = arith.constant 0 : i32
      %dma_wait3A_47 = tpu.memref_slice %arg9[%add3A_10, %dma_wait3A_46] : memref<10240x128xf32, #tpu.memory_space<vmem_shared>> -> memref<128x128xf32, #tpu.memory_space<vmem_shared>>
      tpu.wait_dma2 semaphore(%run_scoped3A : memref<!tpu.dma_semaphore, #tpu.memory_space<semaphore_mem>>) src(%arg8 : memref<128x128xf32, #tpu.memory_space<vmem>>) dst(%dma_wait3A_47 : memref<128x128xf32, #tpu.memory_space<vmem_shared>>)
      tpu.yield
    }) : () -> ()
    %add3A_11 = arith.constant 128 : i32
    %add3A_12 = arith.addi %mul3A_8, %add3A_11 : i32
    "tpu.region"() ({
      %run_scoped3A = tpu.sem_alloc : memref<!tpu.dma_semaphore, #tpu.memory_space<semaphore_mem>>
      %dma_start3A = arith.constant 0 : i32
      %dma_start3A_42 = tpu.memref_slice %arg9[%add3A_12, %dma_start3A] : memref<10240x128xf32, #tpu.memory_space<vmem_shared>> -> memref<128x128xf32, #tpu.memory_space<vmem_shared>>
      %dma_start3A_43 = arith.constant 0 : i32
      %dma_start3A_44 = tpu.memref_slice %arg9[%add3A_12, %dma_start3A_43] : memref<10240x128xf32, #tpu.memory_space<vmem_shared>> -> memref<128x128xf32, #tpu.memory_space<vmem_shared>>
      tpu.enqueue_dma source(%arg8 : memref<128x128xf32, #tpu.memory_space<vmem>>) target(%dma_start3A_44 : memref<128x128xf32, #tpu.memory_space<vmem_shared>>) target_semaphore(%run_scoped3A : memref<!tpu.dma_semaphore, #tpu.memory_space<semaphore_mem>>)
      %dma_wait3A = arith.constant 0 : i32
      %dma_wait3A_45 = tpu.memref_slice %arg9[%add3A_12, %dma_wait3A] : memref<10240x128xf32, #tpu.memory_space<vmem_shared>> -> memref<128x128xf32, #tpu.memory_space<vmem_shared>>
      %dma_wait3A_46 = arith.constant 0 : i32
      %dma_wait3A_47 = tpu.memref_slice %arg9[%add3A_12, %dma_wait3A_46] : memref<10240x128xf32, #tpu.memory_space<vmem_shared>> -> memref<128x128xf32, #tpu.memory_space<vmem_shared>>
      tpu.wait_dma2 semaphore(%run_scoped3A : memref<!tpu.dma_semaphore, #tpu.memory_space<semaphore_mem>>) src(%arg8 : memref<128x128xf32, #tpu.memory_space<vmem>>) dst(%dma_wait3A_47 : memref<128x128xf32, #tpu.memory_space<vmem_shared>>)
      tpu.yield
    }) : () -> ()
    %add3A_13 = arith.constant 256 : i32
    %add3A_14 = arith.addi %mul3A_8, %add3A_13 : i32
    "tpu.region"() ({
      %run_scoped3A = tpu.sem_alloc : memref<!tpu.dma_semaphore, #tpu.memory_space<semaphore_mem>>
      %dma_start3A = arith.constant 0 : i32
      %dma_start3A_42 = tpu.memref_slice %arg9[%add3A_14, %dma_start3A] : memref<10240x128xf32, #tpu.memory_space<vmem_shared>> -> memref<128x128xf32, #tpu.memory_space<vmem_shared>>
      %dma_start3A_43 = arith.constant 0 : i32
      %dma_start3A_44 = tpu.memref_slice %arg9[%add3A_14, %dma_start3A_43] : memref<10240x128xf32, #tpu.memory_space<vmem_shared>> -> memref<128x128xf32, #tpu.memory_space<vmem_shared>>
      tpu.enqueue_dma source(%arg8 : memref<128x128xf32, #tpu.memory_space<vmem>>) target(%dma_start3A_44 : memref<128x128xf32, #tpu.memory_space<vmem_shared>>) target_semaphore(%run_scoped3A : memref<!tpu.dma_semaphore, #tpu.memory_space<semaphore_mem>>)
      %dma_wait3A = arith.constant 0 : i32
      %dma_wait3A_45 = tpu.memref_slice %arg9[%add3A_14, %dma_wait3A] : memref<10240x128xf32, #tpu.memory_space<vmem_shared>> -> memref<128x128xf32, #tpu.memory_space<vmem_shared>>
      %dma_wait3A_46 = arith.constant 0 : i32
      %dma_wait3A_47 = tpu.memref_slice %arg9[%add3A_14, %dma_wait3A_46] : memref<10240x128xf32, #tpu.memory_space<vmem_shared>> -> memref<128x128xf32, #tpu.memory_space<vmem_shared>>
      tpu.wait_dma2 semaphore(%run_scoped3A : memref<!tpu.dma_semaphore, #tpu.memory_space<semaphore_mem>>) src(%arg8 : memref<128x128xf32, #tpu.memory_space<vmem>>) dst(%dma_wait3A_47 : memref<128x128xf32, #tpu.memory_space<vmem_shared>>)
      tpu.yield
    }) : () -> ()
    %add3A_15 = arith.constant 384 : i32
    %add3A_16 = arith.addi %mul3A_8, %add3A_15 : i32
    "tpu.region"() ({
      %run_scoped3A = tpu.sem_alloc : memref<!tpu.dma_semaphore, #tpu.memory_space<semaphore_mem>>
      %dma_start3A = arith.constant 0 : i32
      %dma_start3A_42 = tpu.memref_slice %arg9[%add3A_16, %dma_start3A] : memref<10240x128xf32, #tpu.memory_space<vmem_shared>> -> memref<128x128xf32, #tpu.memory_space<vmem_shared>>
      %dma_start3A_43 = arith.constant 0 : i32
      %dma_start3A_44 = tpu.memref_slice %arg9[%add3A_16, %dma_start3A_43] : memref<10240x128xf32, #tpu.memory_space<vmem_shared>> -> memref<128x128xf32, #tpu.memory_space<vmem_shared>>
      tpu.enqueue_dma source(%arg8 : memref<128x128xf32, #tpu.memory_space<vmem>>) target(%dma_start3A_44 : memref<128x128xf32, #tpu.memory_space<vmem_shared>>) target_semaphore(%run_scoped3A : memref<!tpu.dma_semaphore, #tpu.memory_space<semaphore_mem>>)
      %dma_wait3A = arith.constant 0 : i32
      %dma_wait3A_45 = tpu.memref_slice %arg9[%add3A_16, %dma_wait3A] : memref<10240x128xf32, #tpu.memory_space<vmem_shared>> -> memref<128x128xf32, #tpu.memory_space<vmem_shared>>
      %dma_wait3A_46 = arith.constant 0 : i32
      %dma_wait3A_47 = tpu.memref_slice %arg9[%add3A_16, %dma_wait3A_46] : memref<10240x128xf32, #tpu.memory_space<vmem_shared>> -> memref<128x128xf32, #tpu.memory_space<vmem_shared>>
      tpu.wait_dma2 semaphore(%run_scoped3A : memref<!tpu.dma_semaphore, #tpu.memory_space<semaphore_mem>>) src(%arg8 : memref<128x128xf32, #tpu.memory_space<vmem>>) dst(%dma_wait3A_47 : memref<128x128xf32, #tpu.memory_space<vmem_shared>>)
      tpu.yield
    }) : () -> ()
    %add3A_17 = arith.constant 512 : i32
    %add3A_18 = arith.addi %mul3A_8, %add3A_17 : i32
    "tpu.region"() ({
      %run_scoped3A = tpu.sem_alloc : memref<!tpu.dma_semaphore, #tpu.memory_space<semaphore_mem>>
      %dma_start3A = arith.constant 0 : i32
      %dma_start3A_42 = tpu.memref_slice %arg9[%add3A_18, %dma_start3A] : memref<10240x128xf32, #tpu.memory_space<vmem_shared>> -> memref<128x128xf32, #tpu.memory_space<vmem_shared>>
      %dma_start3A_43 = arith.constant 0 : i32
      %dma_start3A_44 = tpu.memref_slice %arg9[%add3A_18, %dma_start3A_43] : memref<10240x128xf32, #tpu.memory_space<vmem_shared>> -> memref<128x128xf32, #tpu.memory_space<vmem_shared>>
      tpu.enqueue_dma source(%arg8 : memref<128x128xf32, #tpu.memory_space<vmem>>) target(%dma_start3A_44 : memref<128x128xf32, #tpu.memory_space<vmem_shared>>) target_semaphore(%run_scoped3A : memref<!tpu.dma_semaphore, #tpu.memory_space<semaphore_mem>>)
      %dma_wait3A = arith.constant 0 : i32
      %dma_wait3A_45 = tpu.memref_slice %arg9[%add3A_18, %dma_wait3A] : memref<10240x128xf32, #tpu.memory_space<vmem_shared>> -> memref<128x128xf32, #tpu.memory_space<vmem_shared>>
      %dma_wait3A_46 = arith.constant 0 : i32
      %dma_wait3A_47 = tpu.memref_slice %arg9[%add3A_18, %dma_wait3A_46] : memref<10240x128xf32, #tpu.memory_space<vmem_shared>> -> memref<128x128xf32, #tpu.memory_space<vmem_shared>>
      tpu.wait_dma2 semaphore(%run_scoped3A : memref<!tpu.dma_semaphore, #tpu.memory_space<semaphore_mem>>) src(%arg8 : memref<128x128xf32, #tpu.memory_space<vmem>>) dst(%dma_wait3A_47 : memref<128x128xf32, #tpu.memory_space<vmem_shared>>)
      tpu.yield
    }) : () -> ()
    %barrier3A = arith.constant 0 : index
    tpu.barrier barrier_id(%barrier3A)
    %eq3A = arith.constant 0 : i32
    %eq3A_19 = arith.cmpi eq, %arg0, %eq3A : i32
    %jit3A = arith.constant 105 : i32
    %jit3A_20 = arith.constant 55 : i32
    %select_n3A = arith.select %eq3A_19, %jit3A, %jit3A_20 : i32
    %eq3A_21 = arith.constant 0 : i32
    %eq3A_22 = arith.cmpi eq, %arg0, %eq3A_21 : i32
    %mul3A_23 = arith.constant 105 : i32
    %mul3A_24 = arith.muli %arg1, %mul3A_23 : i32
    %mul3A_25 = arith.constant 55 : i32
    %mul3A_26 = arith.muli %arg1, %mul3A_25 : i32
    %add3A_27 = arith.constant 1680 : i32
    %add3A_28 = arith.addi %add3A_27, %mul3A_26 : i32
    %select_n3A_29 = arith.select %eq3A_22, %mul3A_24, %add3A_28 : i32
    %mul3A_30 = arith.constant 128 : i32
    %mul3A_31 = arith.muli %select_n3A_29, %mul3A_30 : i32
    %while3A = arith.constant 0 : i32
    %while3A_32 = arith.constant 0 : i32
    %while3A_33 = arith.subi %select_n3A, %while3A_32 : i32
    %while3A_34 = arith.addi %while3A_32, %while3A_33 : i32
    %while3A_35 = arith.constant 1 : i32
    %while3A_36 = arith.divsi %while3A_33, %while3A_35 : i32
    %while3A_37 = arith.muli %while3A_36, %while3A_35 : i32
    %while3A_38 = arith.addi %while3A_32, %while3A_37 : i32
    %while3A_39 = arith.constant 1 : i32
    scf.for %while3A_42 = %while3A_32 to %while3A_38 step %while3A_39  : i32 {
      %mul3A_43 = arith.constant 128 : i32
      %mul3A_44 = arith.muli %while3A_42, %mul3A_43 : i32
      %add3A_45 = arith.addi %mul3A_31, %mul3A_44 : i32
      "tpu.region"() ({
        %run_scoped3A = tpu.sem_alloc : memref<!tpu.dma_semaphore, #tpu.memory_space<semaphore_mem>>
        %dma_start3A_50 = tpu.memref_slice %arg3[%add3A_45] : memref<330048xi32, #tpu.memory_space<hbm>> -> memref<128xi32, #tpu.memory_space<hbm>>
        %dma_start3A_51 = tpu.memref_slice %arg3[%add3A_45] : memref<330048xi32, #tpu.memory_space<hbm>> -> memref<128xi32, #tpu.memory_space<hbm>>
        tpu.enqueue_dma source(%dma_start3A_51 : memref<128xi32, #tpu.memory_space<hbm>>) target(%arg6 : memref<128xi32, #tpu.memory_space<vmem>>) target_semaphore(%run_scoped3A : memref<!tpu.dma_semaphore, #tpu.memory_space<semaphore_mem>>)
        %dma_wait3A_52 = tpu.memref_slice %arg3[%add3A_45] : memref<330048xi32, #tpu.memory_space<hbm>> -> memref<128xi32, #tpu.memory_space<hbm>>
        %dma_wait3A_53 = tpu.memref_slice %arg3[%add3A_45] : memref<330048xi32, #tpu.memory_space<hbm>> -> memref<128xi32, #tpu.memory_space<hbm>>
        tpu.wait_dma2 semaphore(%run_scoped3A : memref<!tpu.dma_semaphore, #tpu.memory_space<semaphore_mem>>) src(%dma_wait3A_53 : memref<128xi32, #tpu.memory_space<hbm>>) dst(%arg6 : memref<128xi32, #tpu.memory_space<vmem>>)
        tpu.yield
      }) : () -> ()
      "tpu.region"() ({
        %run_scoped3A = tpu.sem_alloc : memref<!tpu.dma_semaphore, #tpu.memory_space<semaphore_mem>>
        %dma_start3A_50 = tpu.memref_slice %arg4[%add3A_45] : memref<330048xi32, #tpu.memory_space<hbm>> -> memref<128xi32, #tpu.memory_space<hbm>>
        %dma_start3A_51 = tpu.memref_slice %arg4[%add3A_45] : memref<330048xi32, #tpu.memory_space<hbm>> -> memref<128xi32, #tpu.memory_space<hbm>>
        tpu.enqueue_dma source(%dma_start3A_51 : memref<128xi32, #tpu.memory_space<hbm>>) target(%arg7 : memref<128xi32, #tpu.memory_space<vmem>>) target_semaphore(%run_scoped3A : memref<!tpu.dma_semaphore, #tpu.memory_space<semaphore_mem>>)
        %dma_wait3A_52 = tpu.memref_slice %arg4[%add3A_45] : memref<330048xi32, #tpu.memory_space<hbm>> -> memref<128xi32, #tpu.memory_space<hbm>>
        %dma_wait3A_53 = tpu.memref_slice %arg4[%add3A_45] : memref<330048xi32, #tpu.memory_space<hbm>> -> memref<128xi32, #tpu.memory_space<hbm>>
        tpu.wait_dma2 semaphore(%run_scoped3A : memref<!tpu.dma_semaphore, #tpu.memory_space<semaphore_mem>>) src(%dma_wait3A_53 : memref<128xi32, #tpu.memory_space<hbm>>) dst(%arg7 : memref<128xi32, #tpu.memory_space<vmem>>)
        tpu.yield
      }) : () -> ()
      %dma_start3A = arith.constant 0 : i32
      %dma_start3A_46 = arith.constant 0 : i32
      %dma_start3A_47 = tpu.memref_slice %arg2[%dma_start3A, %dma_start3A_46] : memref<10240x128xf32, #tpu.memory_space<hbm>> -> memref<10240x128xf32, #tpu.memory_space<hbm>>
      tpu.enqueue_indirect_dma source(%dma_start3A_47 : memref<10240x128xf32, #tpu.memory_space<hbm>>) target(%arg8 : memref<128x128xf32, #tpu.memory_space<vmem>>) offsets(%arg6 : memref<128xi32, #tpu.memory_space<vmem>>) semaphore(%arg10 : memref<!tpu.dma_semaphore, #tpu.memory_space<semaphore_mem>>)
      %dma_wait3A = arith.constant 0 : i32
      %dma_wait3A_48 = arith.constant 0 : i32
      %dma_wait3A_49 = tpu.memref_slice %arg2[%dma_wait3A, %dma_wait3A_48] : memref<10240x128xf32, #tpu.memory_space<hbm>> -> memref<10240x128xf32, #tpu.memory_space<hbm>>
      tpu.wait_indirect_dma semaphore(%arg10 : memref<!tpu.dma_semaphore, #tpu.memory_space<semaphore_mem>>) src(%dma_wait3A_49 : memref<10240x128xf32, #tpu.memory_space<hbm>>) dst(%arg8 : memref<128x128xf32, #tpu.memory_space<vmem>>)
      "tpu.region"() ({
        %run_scoped3A = tpu.sem_alloc : memref<!tpu.dma_semaphore, #tpu.memory_space<semaphore_mem>>
        %dma_start3A_50 = arith.constant 0 : i32
        %dma_start3A_51 = arith.constant 0 : i32
        %dma_start3A_52 = tpu.memref_slice %arg9[%dma_start3A_50, %dma_start3A_51] : memref<10240x128xf32, #tpu.memory_space<vmem_shared>> -> memref<10240x128xf32, #tpu.memory_space<vmem_shared>>
        tpu.enqueue_indirect_dma source(%arg8 : memref<128x128xf32, #tpu.memory_space<vmem>>) target(%dma_start3A_52 : memref<10240x128xf32, #tpu.memory_space<vmem_shared>>) offsets(%arg7 : memref<128xi32, #tpu.memory_space<vmem>>) semaphore(%run_scoped3A : memref<!tpu.dma_semaphore, #tpu.memory_space<semaphore_mem>>) {add = true}
        %dma_wait3A_53 = arith.constant 0 : i32
        %dma_wait3A_54 = arith.constant 0 : i32
        %dma_wait3A_55 = tpu.memref_slice %arg9[%dma_wait3A_53, %dma_wait3A_54] : memref<10240x128xf32, #tpu.memory_space<vmem_shared>> -> memref<10240x128xf32, #tpu.memory_space<vmem_shared>>
        tpu.wait_indirect_dma semaphore(%run_scoped3A : memref<!tpu.dma_semaphore, #tpu.memory_space<semaphore_mem>>) src(%arg8 : memref<128x128xf32, #tpu.memory_space<vmem>>) dst(%dma_wait3A_55 : memref<10240x128xf32, #tpu.memory_space<vmem_shared>>)
        tpu.yield
      }) : () -> ()
    }
    %while3A_40 = arith.constant 1 : i32
    scf.for %while3A_42 = %while3A_38 to %while3A_34 step %while3A_40  : i32 {
      %mul3A_43 = arith.constant 128 : i32
      %mul3A_44 = arith.muli %while3A_42, %mul3A_43 : i32
      %add3A_45 = arith.addi %mul3A_31, %mul3A_44 : i32
      "tpu.region"() ({
        %run_scoped3A = tpu.sem_alloc : memref<!tpu.dma_semaphore, #tpu.memory_space<semaphore_mem>>
        %dma_start3A_50 = tpu.memref_slice %arg3[%add3A_45] : memref<330048xi32, #tpu.memory_space<hbm>> -> memref<128xi32, #tpu.memory_space<hbm>>
        %dma_start3A_51 = tpu.memref_slice %arg3[%add3A_45] : memref<330048xi32, #tpu.memory_space<hbm>> -> memref<128xi32, #tpu.memory_space<hbm>>
        tpu.enqueue_dma source(%dma_start3A_51 : memref<128xi32, #tpu.memory_space<hbm>>) target(%arg6 : memref<128xi32, #tpu.memory_space<vmem>>) target_semaphore(%run_scoped3A : memref<!tpu.dma_semaphore, #tpu.memory_space<semaphore_mem>>)
        %dma_wait3A_52 = tpu.memref_slice %arg3[%add3A_45] : memref<330048xi32, #tpu.memory_space<hbm>> -> memref<128xi32, #tpu.memory_space<hbm>>
        %dma_wait3A_53 = tpu.memref_slice %arg3[%add3A_45] : memref<330048xi32, #tpu.memory_space<hbm>> -> memref<128xi32, #tpu.memory_space<hbm>>
        tpu.wait_dma2 semaphore(%run_scoped3A : memref<!tpu.dma_semaphore, #tpu.memory_space<semaphore_mem>>) src(%dma_wait3A_53 : memref<128xi32, #tpu.memory_space<hbm>>) dst(%arg6 : memref<128xi32, #tpu.memory_space<vmem>>)
        tpu.yield
      }) : () -> ()
      "tpu.region"() ({
        %run_scoped3A = tpu.sem_alloc : memref<!tpu.dma_semaphore, #tpu.memory_space<semaphore_mem>>
        %dma_start3A_50 = tpu.memref_slice %arg4[%add3A_45] : memref<330048xi32, #tpu.memory_space<hbm>> -> memref<128xi32, #tpu.memory_space<hbm>>
        %dma_start3A_51 = tpu.memref_slice %arg4[%add3A_45] : memref<330048xi32, #tpu.memory_space<hbm>> -> memref<128xi32, #tpu.memory_space<hbm>>
        tpu.enqueue_dma source(%dma_start3A_51 : memref<128xi32, #tpu.memory_space<hbm>>) target(%arg7 : memref<128xi32, #tpu.memory_space<vmem>>) target_semaphore(%run_scoped3A : memref<!tpu.dma_semaphore, #tpu.memory_space<semaphore_mem>>)
        %dma_wait3A_52 = tpu.memref_slice %arg4[%add3A_45] : memref<330048xi32, #tpu.memory_space<hbm>> -> memref<128xi32, #tpu.memory_space<hbm>>
        %dma_wait3A_53 = tpu.memref_slice %arg4[%add3A_45] : memref<330048xi32, #tpu.memory_space<hbm>> -> memref<128xi32, #tpu.memory_space<hbm>>
        tpu.wait_dma2 semaphore(%run_scoped3A : memref<!tpu.dma_semaphore, #tpu.memory_space<semaphore_mem>>) src(%dma_wait3A_53 : memref<128xi32, #tpu.memory_space<hbm>>) dst(%arg7 : memref<128xi32, #tpu.memory_space<vmem>>)
        tpu.yield
      }) : () -> ()
      %dma_start3A = arith.constant 0 : i32
      %dma_start3A_46 = arith.constant 0 : i32
      %dma_start3A_47 = tpu.memref_slice %arg2[%dma_start3A, %dma_start3A_46] : memref<10240x128xf32, #tpu.memory_space<hbm>> -> memref<10240x128xf32, #tpu.memory_space<hbm>>
      tpu.enqueue_indirect_dma source(%dma_start3A_47 : memref<10240x128xf32, #tpu.memory_space<hbm>>) target(%arg8 : memref<128x128xf32, #tpu.memory_space<vmem>>) offsets(%arg6 : memref<128xi32, #tpu.memory_space<vmem>>) semaphore(%arg10 : memref<!tpu.dma_semaphore, #tpu.memory_space<semaphore_mem>>)
      %dma_wait3A = arith.constant 0 : i32
      %dma_wait3A_48 = arith.constant 0 : i32
      %dma_wait3A_49 = tpu.memref_slice %arg2[%dma_wait3A, %dma_wait3A_48] : memref<10240x128xf32, #tpu.memory_space<hbm>> -> memref<10240x128xf32, #tpu.memory_space<hbm>>
      tpu.wait_indirect_dma semaphore(%arg10 : memref<!tpu.dma_semaphore, #tpu.memory_space<semaphore_mem>>) src(%dma_wait3A_49 : memref<10240x128xf32, #tpu.memory_space<hbm>>) dst(%arg8 : memref<128x128xf32, #tpu.memory_space<vmem>>)
      "tpu.region"() ({
        %run_scoped3A = tpu.sem_alloc : memref<!tpu.dma_semaphore, #tpu.memory_space<semaphore_mem>>
        %dma_start3A_50 = arith.constant 0 : i32
        %dma_start3A_51 = arith.constant 0 : i32
        %dma_start3A_52 = tpu.memref_slice %arg9[%dma_start3A_50, %dma_start3A_51] : memref<10240x128xf32, #tpu.memory_space<vmem_shared>> -> memref<10240x128xf32, #tpu.memory_space<vmem_shared>>
        tpu.enqueue_indirect_dma source(%arg8 : memref<128x128xf32, #tpu.memory_space<vmem>>) target(%dma_start3A_52 : memref<10240x128xf32, #tpu.memory_space<vmem_shared>>) offsets(%arg7 : memref<128xi32, #tpu.memory_space<vmem>>) semaphore(%run_scoped3A : memref<!tpu.dma_semaphore, #tpu.memory_space<semaphore_mem>>) {add = true}
        %dma_wait3A_53 = arith.constant 0 : i32
        %dma_wait3A_54 = arith.constant 0 : i32
        %dma_wait3A_55 = tpu.memref_slice %arg9[%dma_wait3A_53, %dma_wait3A_54] : memref<10240x128xf32, #tpu.memory_space<vmem_shared>> -> memref<10240x128xf32, #tpu.memory_space<vmem_shared>>
        tpu.wait_indirect_dma semaphore(%run_scoped3A : memref<!tpu.dma_semaphore, #tpu.memory_space<semaphore_mem>>) src(%arg8 : memref<128x128xf32, #tpu.memory_space<vmem>>) dst(%dma_wait3A_55 : memref<10240x128xf32, #tpu.memory_space<vmem_shared>>)
        tpu.yield
      }) : () -> ()
    }
    %barrier3A_41 = arith.constant 0 : index
    tpu.barrier barrier_id(%barrier3A_41)
    "tpu.region"() ({
      %run_scoped3A = tpu.sem_alloc : memref<!tpu.dma_semaphore, #tpu.memory_space<semaphore_mem>>
      %dma_start3A = arith.constant 0 : i32
      %dma_start3A_42 = tpu.memref_slice %arg5[%arg0, %mul3A_8, %dma_start3A] : memref<2x10240x128xf32, #tpu.memory_space<hbm>> -> memref<1x640x128xf32, #tpu.memory_space<hbm>>
      %dma_start3A_43 = tpu.memref_squeeze %dma_start3A_42 : memref<1x640x128xf32, #tpu.memory_space<hbm>> -> memref<640x128xf32, #tpu.memory_space<hbm>>
      %dma_start3A_44 = arith.constant 0 : i32
      %dma_start3A_45 = tpu.memref_slice %arg9[%mul3A_8, %dma_start3A_44] : memref<10240x128xf32, #tpu.memory_space<vmem_shared>> -> memref<640x128xf32, #tpu.memory_space<vmem_shared>>
      tpu.enqueue_dma source(%dma_start3A_45 : memref<640x128xf32, #tpu.memory_space<vmem_shared>>) target(%dma_start3A_43 : memref<640x128xf32, #tpu.memory_space<hbm>>) target_semaphore(%run_scoped3A : memref<!tpu.dma_semaphore, #tpu.memory_space<semaphore_mem>>)
      %dma_wait3A = arith.constant 0 : i32
      %dma_wait3A_46 = tpu.memref_slice %arg5[%arg0, %mul3A_8, %dma_wait3A] : memref<2x10240x128xf32, #tpu.memory_space<hbm>> -> memref<1x640x128xf32, #tpu.memory_space<hbm>>
      %dma_wait3A_47 = tpu.memref_squeeze %dma_wait3A_46 : memref<1x640x128xf32, #tpu.memory_space<hbm>> -> memref<640x128xf32, #tpu.memory_space<hbm>>
      %dma_wait3A_48 = arith.constant 0 : i32
      %dma_wait3A_49 = tpu.memref_slice %arg9[%mul3A_8, %dma_wait3A_48] : memref<10240x128xf32, #tpu.memory_space<vmem_shared>> -> memref<640x128xf32, #tpu.memory_space<vmem_shared>>
      tpu.wait_dma2 semaphore(%run_scoped3A : memref<!tpu.dma_semaphore, #tpu.memory_space<semaphore_mem>>) src(%dma_wait3A_49 : memref<640x128xf32, #tpu.memory_space<vmem_shared>>) dst(%dma_wait3A_47 : memref<640x128xf32, #tpu.memory_space<hbm>>)
      tpu.yield
    }) : () -> ()
    return
  }
}

module attributes {stable_mosaic.version = 14 : i64} {
  func.func @body(%arg0: memref<32x80x128xf32, #tpu.memory_space<vmem>>, %arg1: memref<80x128xf32, #tpu.memory_space<vmem>>) attributes {dimension_semantics = [], scalar_prefetch = 0 : i64, scratch_operands = 0 : i64, tpu.core_type = #tpu.core_type<tc>} {
    %get3A = arith.constant 0 : index
    %get3A_0 = arith.constant 0 : index
    %get3A_1 = arith.constant 0 : index
    %get3A_2 = vector.load %arg0[%get3A, %get3A_0, %get3A_1] : memref<32x80x128xf32, #tpu.memory_space<vmem>>, vector<32x80x128xf32>
    %reduce_sum3A = arith.constant dense<0.000000e+00> : vector<80x128xf32>
    %reduce_sum3A_3 = vector.multi_reduction <add>, %get3A_2, %reduce_sum3A [0] : vector<32x80x128xf32> to vector<80x128xf32>
    %add3A = arith.constant 1.000000e+00 : f32
    %add3A_4 = vector.broadcast %add3A : f32 to vector<80x128xf32>
    %add3A_5 = arith.addf %reduce_sum3A_3, %add3A_4 : vector<80x128xf32>
    %rsqrt3A = math.rsqrt %add3A_5 : vector<80x128xf32>
    %swap3A = arith.constant 0 : index
    %swap3A_6 = arith.constant 0 : index
    %swap3A_7 = vector.load %arg1[%swap3A, %swap3A_6] : memref<80x128xf32, #tpu.memory_space<vmem>>, vector<80x128xf32>
    tpu.vector_store %arg1[%swap3A, %swap3A_6], %rsqrt3A {strides = array<i32>} : memref<80x128xf32, #tpu.memory_space<vmem>>, vector<80x128xf32>,
    return
  }
}

module attributes {stable_mosaic.version = 14 : i64} {
  func.func @body(%arg0: i32, %arg1: memref<512x128xf32, #tpu.memory_space<vmem>>, %arg2: memref<512x1xf32, #tpu.memory_space<vmem>>, %arg3: memref<512x128xf32, #tpu.memory_space<vmem>>) attributes {dimension_semantics = [#tpu.dimension_semantics<arbitrary>], iteration_bounds = array<i64: 20>, scalar_prefetch = 0 : i64, scratch_operands = 0 : i64, tpu.core_type = #tpu.core_type<tc>, window_params = [{transform_indices = @transform_0, window_bounds = array<i64: 512, 128>}, {transform_indices = @transform_1, window_bounds = array<i64: 512, 1>}, {transform_indices = @transform_2, window_bounds = array<i64: 512, 128>}]} {
    %get3A = arith.constant 0 : index
    %get3A_0 = arith.constant 0 : index
    %get3A_1 = vector.load %arg1[%get3A, %get3A_0] : memref<512x128xf32, #tpu.memory_space<vmem>>, vector<512x128xf32>
    %get3A_2 = arith.constant 0 : index
    %get3A_3 = arith.constant 0 : index
    %get3A_4 = vector.load %arg2[%get3A_2, %get3A_3] : memref<512x1xf32, #tpu.memory_space<vmem>>, vector<512x1xf32>
    %mul3A = vector.broadcast %get3A_4 : vector<512x1xf32> to vector<512x128xf32>
    %mul3A_5 = arith.mulf %get3A_1, %mul3A : vector<512x128xf32>
    %swap3A = arith.constant 0 : index
    %swap3A_6 = arith.constant 0 : index
    %swap3A_7 = vector.load %arg3[%swap3A, %swap3A_6] : memref<512x128xf32, #tpu.memory_space<vmem>>, vector<512x128xf32>
    tpu.vector_store %arg3[%swap3A, %swap3A_6], %mul3A_5 {strides = array<i32>} : memref<512x128xf32, #tpu.memory_space<vmem>>, vector<512x128xf32>,
    return
  }
  func.func @transform_0(%arg0: i32) -> (i32, i32) {
    %c0_i32 = arith.constant 0 : i32
    %c0_i32_0 = arith.constant 0 : i32
    return %arg0, %c0_i32 : i32, i32
  }
  func.func @transform_1(%arg0: i32) -> (i32, i32) {
    %c0_i32 = arith.constant 0 : i32
    %c0_i32_0 = arith.constant 0 : i32
    return %arg0, %c0_i32 : i32, i32
  }
  func.func @transform_2(%arg0: i32) -> (i32, i32) {
    %c0_i32 = arith.constant 0 : i32
    %c0_i32_0 = arith.constant 0 : i32
    return %arg0, %c0_i32 : i32, i32
  }
}

module attributes {stable_mosaic.version = 14 : i64} {
  func.func @body(%arg0: i32, %arg1: memref<512x128xf32, #tpu.memory_space<vmem>>, %arg2: memref<512x128xf32, #tpu.memory_space<vmem>>, %arg3: memref<512x128xf32, #tpu.memory_space<vmem>>, %arg4: memref<512x1xf32, #tpu.memory_space<vmem>>, %arg5: memref<128x256xf32, #tpu.memory_space<vmem>>, %arg6: memref<1x256xf32, #tpu.memory_space<vmem>>, %arg7: memref<256x16xf32, #tpu.memory_space<vmem>>, %arg8: memref<512x16xf32, #tpu.memory_space<vmem>>) attributes {dimension_semantics = [#tpu.dimension_semantics<arbitrary>], iteration_bounds = array<i64: 20>, scalar_prefetch = 0 : i64, scratch_operands = 0 : i64, tpu.core_type = #tpu.core_type<tc>, window_params = [{transform_indices = @transform_0, window_bounds = array<i64: 512, 128>}, {transform_indices = @transform_1, window_bounds = array<i64: 512, 128>}, {transform_indices = @transform_2, window_bounds = array<i64: 512, 128>}, {transform_indices = @transform_3, window_bounds = array<i64: 512, 1>}, {pipeline_mode = #tpu.pipeline_mode<synchronous>, transform_indices = @transform_4, window_bounds = array<i64: 128, 256>}, {pipeline_mode = #tpu.pipeline_mode<synchronous>, transform_indices = @transform_5, window_bounds = array<i64: 1, 256>}, {pipeline_mode = #tpu.pipeline_mode<synchronous>, transform_indices = @transform_6, window_bounds = array<i64: 256, 16>}, {transform_indices = @transform_7, window_bounds = array<i64: 512, 16>}]} {
    %get3A = arith.constant 0 : index
    %get3A_0 = arith.constant 0 : index
    %get3A_1 = vector.load %arg1[%get3A, %get3A_0] : memref<512x128xf32, #tpu.memory_space<vmem>>, vector<512x128xf32>
    %get3A_2 = arith.constant 0 : index
    %get3A_3 = arith.constant 0 : index
    %get3A_4 = vector.load %arg2[%get3A_2, %get3A_3] : memref<512x128xf32, #tpu.memory_space<vmem>>, vector<512x128xf32>
    %add3A = arith.addf %get3A_1, %get3A_4 : vector<512x128xf32>
    %get3A_5 = arith.constant 0 : index
    %get3A_6 = arith.constant 0 : index
    %get3A_7 = vector.load %arg3[%get3A_5, %get3A_6] : memref<512x128xf32, #tpu.memory_space<vmem>>, vector<512x128xf32>
    %add3A_8 = arith.addf %add3A, %get3A_7 : vector<512x128xf32>
    %get3A_9 = arith.constant 0 : index
    %get3A_10 = arith.constant 0 : index
    %get3A_11 = vector.load %arg4[%get3A_9, %get3A_10] : memref<512x1xf32, #tpu.memory_space<vmem>>, vector<512x1xf32>
    %mul3A = vector.broadcast %get3A_11 : vector<512x1xf32> to vector<512x128xf32>
    %mul3A_12 = arith.mulf %add3A_8, %mul3A : vector<512x128xf32>
    %get3A_13 = arith.constant 0 : index
    %get3A_14 = arith.constant 0 : index
    %get3A_15 = vector.load %arg5[%get3A_13, %get3A_14] : memref<128x256xf32, #tpu.memory_space<vmem>>, vector<128x256xf32>
    %dot_general3A = arith.constant dense<0.000000e+00> : vector<512x256xf32>
    %dot_general3A_16 = tpu.matmul %mul3A_12, %get3A_15, %dot_general3A {dimension_numbers = #tpu.dot_dimension_numbers<[1], [0], [0], [1], [0, 0, 1, 1], [], []>, transpose_lhs_hint = false} : vector<512x128xf32>, vector<128x256xf32>, vector<512x256xf32> -> vector<512x256xf32>
    %get3A_17 = arith.constant 0 : index
    %get3A_18 = arith.constant 0 : index
    %get3A_19 = vector.load %arg6[%get3A_17, %get3A_18] : memref<1x256xf32, #tpu.memory_space<vmem>>, vector<1x256xf32>
    %add3A_20 = vector.broadcast %get3A_19 : vector<1x256xf32> to vector<512x256xf32>
    %add3A_21 = arith.addf %dot_general3A_16, %add3A_20 : vector<512x256xf32>
    %max3A = arith.constant 0.000000e+00 : f32
    %max3A_22 = vector.broadcast %max3A : f32 to vector<512x256xf32>
    %max3A_23 = arith.maximumf %add3A_21, %max3A_22 : vector<512x256xf32>
    %get3A_24 = arith.constant 0 : index
    %get3A_25 = arith.constant 0 : index
    %get3A_26 = vector.load %arg7[%get3A_24, %get3A_25] : memref<256x16xf32, #tpu.memory_space<vmem>>, vector<256x16xf32>
    %dot_general3A_27 = arith.constant dense<0.000000e+00> : vector<512x16xf32>
    %dot_general3A_28 = tpu.matmul %max3A_23, %get3A_26, %dot_general3A_27 {dimension_numbers = #tpu.dot_dimension_numbers<[1], [0], [0], [1], [0, 0, 1, 1], [], []>, transpose_lhs_hint = false} : vector<512x256xf32>, vector<256x16xf32>, vector<512x16xf32> -> vector<512x16xf32>
    %get3A_29 = arith.constant 0 : index
    %get3A_30 = arith.constant 0 : index
    %get3A_31 = vector.load %arg4[%get3A_29, %get3A_30] : memref<512x1xf32, #tpu.memory_space<vmem>>, vector<512x1xf32>
    %mul3A_32 = vector.broadcast %get3A_31 : vector<512x1xf32> to vector<512x16xf32>
    %mul3A_33 = arith.mulf %dot_general3A_28, %mul3A_32 : vector<512x16xf32>
    %swap3A = arith.constant 0 : index
    %swap3A_34 = arith.constant 0 : index
    %swap3A_35 = vector.load %arg8[%swap3A, %swap3A_34] : memref<512x16xf32, #tpu.memory_space<vmem>>, vector<512x16xf32>
    tpu.vector_store %arg8[%swap3A, %swap3A_34], %mul3A_33 {strides = array<i32>} : memref<512x16xf32, #tpu.memory_space<vmem>>, vector<512x16xf32>,
    return
  }
  func.func @transform_0(%arg0: i32) -> (i32, i32) {
    %c0_i32 = arith.constant 0 : i32
    %c0_i32_0 = arith.constant 0 : i32
    return %arg0, %c0_i32 : i32, i32
  }
  func.func @transform_1(%arg0: i32) -> (i32, i32) {
    %c0_i32 = arith.constant 0 : i32
    %c0_i32_0 = arith.constant 0 : i32
    return %arg0, %c0_i32 : i32, i32
  }
  func.func @transform_2(%arg0: i32) -> (i32, i32) {
    %c0_i32 = arith.constant 0 : i32
    %c0_i32_0 = arith.constant 0 : i32
    return %arg0, %c0_i32 : i32, i32
  }
  func.func @transform_3(%arg0: i32) -> (i32, i32) {
    %c0_i32 = arith.constant 0 : i32
    %c0_i32_0 = arith.constant 0 : i32
    return %arg0, %c0_i32 : i32, i32
  }
  func.func @transform_4(%arg0: i32) -> (i32, i32) {
    %c0_i32 = arith.constant 0 : i32
    %c0_i32_0 = arith.constant 0 : i32
    %c0_i32_1 = arith.constant 0 : i32
    return %c0_i32, %c0_i32_0 : i32, i32
  }
  func.func @transform_5(%arg0: i32) -> (i32, i32) {
    %c0_i32 = arith.constant 0 : i32
    %c0_i32_0 = arith.constant 0 : i32
    %c0_i32_1 = arith.constant 0 : i32
    return %c0_i32, %c0_i32_0 : i32, i32
  }
  func.func @transform_6(%arg0: i32) -> (i32, i32) {
    %c0_i32 = arith.constant 0 : i32
    %c0_i32_0 = arith.constant 0 : i32
    %c0_i32_1 = arith.constant 0 : i32
    return %c0_i32, %c0_i32_0 : i32, i32
  }
  func.func @transform_7(%arg0: i32) -> (i32, i32) {
    %c0_i32 = arith.constant 0 : i32
    %c0_i32_0 = arith.constant 0 : i32
    return %arg0, %c0_i32 : i32, i32
  }
}

module attributes {stable_mosaic.version = 14 : i64} {
  func.func @body(%arg0: memref<32x160x128xf32, #tpu.memory_space<vmem>>, %arg1: memref<160x128xf32, #tpu.memory_space<vmem>>, %arg2: memref<80x128xf32, #tpu.memory_space<vmem>>, %arg3: memref<1x2xf32, #tpu.memory_space<smem>>, %arg4: memref<2x80x128xf32, #tpu.memory_space<vmem>>) attributes {dimension_semantics = [], scalar_prefetch = 0 : i64, scratch_operands = 0 : i64, tpu.core_type = #tpu.core_type<tc>} {
    %get3A = arith.constant 0 : index
    %get3A_0 = arith.constant 0 : index
    %get3A_1 = arith.constant 0 : index
    %get3A_2 = vector.load %arg0[%get3A, %get3A_0, %get3A_1] : memref<32x160x128xf32, #tpu.memory_space<vmem>>, vector<32x160x128xf32>
    %reduce_sum3A = arith.constant dense<0.000000e+00> : vector<160x128xf32>
    %reduce_sum3A_3 = vector.multi_reduction <add>, %get3A_2, %reduce_sum3A [0] : vector<32x160x128xf32> to vector<160x128xf32>
    %get3A_4 = arith.constant 0 : index
    %get3A_5 = arith.constant 0 : index
    %get3A_6 = vector.load %arg1[%get3A_4, %get3A_5] : memref<160x128xf32, #tpu.memory_space<vmem>>, vector<160x128xf32>
    %add3A = arith.addf %reduce_sum3A_3, %get3A_6 : vector<160x128xf32>
    %get3A_7 = arith.constant 0 : index
    %get3A_8 = arith.constant 0 : index
    %get3A_9 = vector.load %arg2[%get3A_7, %get3A_8] : memref<80x128xf32, #tpu.memory_space<vmem>>, vector<80x128xf32>
    %slice3A = vector.extract_strided_slice %add3A {offsets = [0, 0], sizes = [80, 128], strides = [1, 1]} : vector<160x128xf32> to vector<80x128xf32>
    %mul3A = arith.mulf %slice3A, %get3A_9 : vector<80x128xf32>
    %get3A_10 = arith.constant 0 : index
    %get3A_11 = arith.constant 0 : index
    %get3A_12 = memref.load %arg3[%get3A_10, %get3A_11] : memref<1x2xf32, #tpu.memory_space<smem>>
    %add3A_13 = vector.broadcast %get3A_12 : f32 to vector<80x128xf32>
    %add3A_14 = arith.addf %mul3A, %add3A_13 : vector<80x128xf32>
    %slice3A_15 = vector.extract_strided_slice %add3A {offsets = [80, 0], sizes = [80, 128], strides = [1, 1]} : vector<160x128xf32> to vector<80x128xf32>
    %mul3A_16 = arith.mulf %slice3A_15, %get3A_9 : vector<80x128xf32>
    %get3A_17 = arith.constant 0 : index
    %get3A_18 = arith.constant 1 : index
    %get3A_19 = memref.load %arg3[%get3A_17, %get3A_18] : memref<1x2xf32, #tpu.memory_space<smem>>
    %add3A_20 = vector.broadcast %get3A_19 : f32 to vector<80x128xf32>
    %add3A_21 = arith.addf %mul3A_16, %add3A_20 : vector<80x128xf32>
    %max3A = arith.maximumf %add3A_14, %add3A_21 : vector<80x128xf32>
    %sub3A = arith.subf %add3A_14, %max3A : vector<80x128xf32>
    %exp3A = math.exp %sub3A : vector<80x128xf32>
    %sub3A_22 = arith.subf %add3A_21, %max3A : vector<80x128xf32>
    %exp3A_23 = math.exp %sub3A_22 : vector<80x128xf32>
    %add3A_24 = arith.addf %exp3A, %exp3A_23 : vector<80x128xf32>
    %log3A = math.log %add3A_24 : vector<80x128xf32>
    %add3A_25 = arith.addf %max3A, %log3A : vector<80x128xf32>
    %sub3A_26 = arith.subf %add3A_14, %add3A_25 : vector<80x128xf32>
    %swap3A = arith.constant 0 : index
    %swap3A_27 = arith.constant 0 : index
    %swap3A_28 = arith.constant 0 : index
    %swap3A_29 = vector.load %arg4[%swap3A, %swap3A_27, %swap3A_28] : memref<2x80x128xf32, #tpu.memory_space<vmem>>, vector<1x80x128xf32>
    %swap3A_30 = vector.shape_cast %swap3A_29 : vector<1x80x128xf32> to vector<80x128xf32>
    %swap3A_31 = vector.shape_cast %sub3A_26 : vector<80x128xf32> to vector<1x80x128xf32>
    tpu.vector_store %arg4[%swap3A, %swap3A_27, %swap3A_28], %swap3A_31 {strides = array<i32>} : memref<2x80x128xf32, #tpu.memory_space<vmem>>, vector<1x80x128xf32>,
    %sub3A_32 = arith.subf %add3A_21, %add3A_25 : vector<80x128xf32>
    %swap3A_33 = arith.constant 1 : index
    %swap3A_34 = arith.constant 0 : index
    %swap3A_35 = arith.constant 0 : index
    %swap3A_36 = vector.load %arg4[%swap3A_33, %swap3A_34, %swap3A_35] : memref<2x80x128xf32, #tpu.memory_space<vmem>>, vector<1x80x128xf32>
    %swap3A_37 = vector.shape_cast %swap3A_36 : vector<1x80x128xf32> to vector<80x128xf32>
    %swap3A_38 = vector.shape_cast %sub3A_32 : vector<80x128xf32> to vector<1x80x128xf32>
    tpu.vector_store %arg4[%swap3A_33, %swap3A_34, %swap3A_35], %swap3A_38 {strides = array<i32>} : memref<2x80x128xf32, #tpu.memory_space<vmem>>, vector<1x80x128xf32>,
    return
  }
}

</mosaic_0001>

<sc_bundles>
// kernel: kernel.12.cloned.1.call-start
scs
__scs_entry_jumppad:
0x0: {  	(pc) =	sbr.rel $0x88, $3  }
0x1: {  	(tag) =	ssettag $0x0;
	lr =	simm.s32 $0x1  }
0x2: {  	[smem:$0x3F9B] =	sst lr;
	_ =	strace $0xD0000000  }
0x3: {  	_ = 	snop  }
0x4: {  	_ = 	snop  }
0x5: {  	_ = 	snop  }
0x6: {  	_ = 	snop  }
0x7: {  	_ = 	snop  }
__scs_overlays_trampoline_lowered:
0x8: {  	[smem:$0x3FAA] =	sst s0  }
0x9: {  	[smem:$0x3FAB] =	sst s1  }
0xa: {  	[smem:$0x3FAC] =	sst s2  }
0xb: {  	[smem:$0x3FAD] =	sst s3  }
0xc: {  	[smem:$0x3FAE] =	sst s4  }
0xd: {  	[smem:$0x3FAF] =	sst s5  }
0xe: {  	[smem:$0x3FB0] =	sst s6  }
0xf: {  	[smem:$0x3FB1] =	sst s7  }
0x10: {  	[smem:$0x3FB2] =	sst s8  }
0x11: {  	[smem:$0x3FB3] =	sst s9;
	s0 =	simm.s32 @!p0 $0x0  }
0x12: {  	s1 =	sld [smem:$0x3F99];
	s0 =	simm.s32 @p0 $0x1  }
0x13: {  	[smem:$0x3FB4] =	sst s0;
	s0 =	simm.s32 @!p1 $0x0  }
0x14: {  	s2 =	sld [smem:$0x3F98];
	s0 =	simm.s32 @p1 $0x1  }
0x15: {  	[smem:$0x3FB5] =	sst s0;
	s0 =	simm.s32 @!p2 $0x0  }
0x16: {  	s3 =	sld [smem:$0x3FDB];
	s0 =	simm.s32 @p2 $0x1  }
0x17: {  	s4 =	simm.s32 $0x1BF5;
	[smem:$0x3FB7] =	sst s0  }
0x18: {  	s0 =	sld [smem:$0x3F9A];
	_ =	swait.ge [sflag:s4], $0x0  }
0x19: {  	s7 =	sld [smem:$0x3F9B]  }
0x1a: {  	s8 =	sadd.s32 $0xFFFFE003, lr  }
0x1b: {  	s9 =	sadd.s32 $0xFFFFFEF7, lr;
	s5 =	simm.s32 $0xFFFFFFFF;
	p2 =	slt.u32 s8, $0xFFFFF086  }
0x1c: {  	p1 =	slt.u32 s9, $0xF7A;
	s5 =	simm.s32 @!p2 $0x0  }
0x1d: {  	s5 =	simm.s32 @p1 $0x1;
	p0 =	seq.s32 s7, s2  }
0x1e: {  	s7 =	smul.u32 @!p0 $0xF7A, s2;
	p2 =	seq.s32 @!p0 s5, $0x0  }
0x1f: {  	s9 =	smul.u32 $0xF7A, s1;
	s8 =	simm.s32 @!p0 $0x1BF5;
	p2 =	por !p2, p0  }
0x20: {  	[sflag:s8] =	ssyncset.s32 @!p0 $0xFFFFF086;
	s6 =	sadd.s32 @!p0 s3, s7;
	s7 =	simm.s32 @!p0 $0x108  }
0x21: {  	s3 =	sadd.s32 s3, s9;
	s6 =	sadd.s32 @!p0 $0x88, s6;
	s7 =	simm.s32 @p2 $0x1082  }
0x22: {  	[simem:s7], [sflag:s8] =	dma.local @!p0 [hbm:s6], $0xF7A  }
0x23: {  	s9 =	sor.u32 $0xD0000000, s2;
	s6 =	simm.s32 $0x108;
	_ =	swait.ge @!p0 [sflag:s8], $0x0  }
0x24: {  	s3 =	sadd.s32 $0x88, s3;
	s6 =	simm.s32 @!p1 $0x1082;
	[sflag:s4] =	ssyncset.s32 $0xFFFFF086  }
0x25: {  	[simem:s6], [sflag:s4] =	dma.local [hbm:s3], $0xF7A  }
0x26: {  	[smem:$0x3F9B] =	sst s1;
	(tag) =	ssettag s2;
	_ =	strace s9  }
0x27: {  	s1 =	sld [smem:$0x3FAB]  }
0x28: {  	s2 =	sld [smem:$0x3FAC]  }
0x29: {  	s4 =	sld [smem:$0x3FAE]  }
0x2a: {  	p0 =	seq.s32 s5, $0x0;
	s5 =	sld [smem:$0x3FAF]  }
0x2b: {  	s6 =	sld [smem:$0x3FB0]  }
0x2c: {  	s7 =	sld [smem:$0x3FB1]  }
0x2d: {  	s3 =	simm.s32 $0x108;
	s8 =	sld [smem:$0x3FB2]  }
0x2e: {  	s3 =	simm.s32 @!p0 $0x1082;
	s9 =	sld [smem:$0x3FB3]  }
0x2f: {  	lr =	sadd.s32 s0, s3;
	s0 =	sld [smem:$0x3FAA]  }
0x30: {  	s3 =	sld [smem:$0x3FAD]  }
0x31: {  	[smem:$0x3FB6] =	sst s10  }
0x32: {  	s10 =	sld [smem:$0x3FB4];
	_ =	sdelay $0x3  }
0x33: {  	p0 =	seq.s32 s10, $0x1;
	s10 =	sld [smem:$0x3FB6];
	_ =	sdelay $0x3  }
0x34: {  	[smem:$0x3FB6] =	sst s10  }
0x35: {  	s10 =	sld [smem:$0x3FB5];
	_ =	sdelay $0x3  }
0x36: {  	p1 =	seq.s32 s10, $0x1;
	s10 =	sld [smem:$0x3FB6];
	_ =	sdelay $0x3  }
0x37: {  	[smem:$0x3FB6] =	sst s10  }
0x38: {  	s10 =	sld [smem:$0x3FB7]  }
0x39: {  	_ = 	snop;
	(pc) =	sbr.ind lr, $3  }
0x3a: {  	_ = 	snop  }
0x3b: {  	_ = 	snop  }
0x3c: {  	p2 =	seq.s32 s10, $0x1;
	s10 =	sld [smem:$0x3FB6]  }
0x3d: {  	_ =	shalt  }
0x3e: {  	_ =	shalt  }
0x3f: {  	_ =	shalt  }
0x40: {  	_ =	shalt  }
0x41: {  	_ =	shalt  }
0x42: {  	_ =	shalt  }
0x43: {  	_ =	shalt  }
0x44: {  	_ =	shalt  }
0x45: {  	_ =	shalt  }
0x46: {  	_ =	shalt  }
0x47: {  	_ =	shalt  }
0x48: {  	_ =	shalt  }
0x49: {  	_ =	shalt  }
0x4a: {  	_ =	shalt  }
0x4b: {  	_ =	shalt  }
0x4c: {  	_ =	shalt  }
0x4d: {  	_ =	shalt  }
0x4e: {  	_ =	shalt  }
0x4f: {  	_ =	shalt  }
0x50: {  	_ =	shalt  }
0x51: {  	_ =	shalt  }
0x52: {  	_ =	shalt  }
0x53: {  	_ =	shalt  }
0x54: {  	_ =	shalt  }
0x55: {  	_ =	shalt  }
0x56: {  	_ =	shalt  }
0x57: {  	_ =	shalt  }
0x58: {  	_ =	shalt  }
0x59: {  	_ =	shalt  }
0x5a: {  	_ =	shalt  }
0x5b: {  	_ =	shalt  }
0x5c: {  	_ =	shalt  }
0x5d: {  	_ =	shalt  }
0x5e: {  	_ =	shalt  }
0x5f: {  	_ =	shalt  }
0x60: {  	_ =	shalt  }
0x61: {  	_ =	shalt  }
0x62: {  	_ =	shalt  }
0x63: {  	_ =	shalt  }
0x64: {  	_ =	shalt  }
0x65: {  	_ =	shalt  }
0x66: {  	_ =	shalt  }
0x67: {  	_ =	shalt  }
0x68: {  	_ =	shalt  }
0x69: {  	_ =	shalt  }
0x6a: {  	_ =	shalt  }
0x6b: {  	_ =	shalt  }
0x6c: {  	_ =	shalt  }
0x6d: {  	_ =	shalt  }
0x6e: {  	_ =	shalt  }
0x6f: {  	_ =	shalt  }
0x70: {  	_ =	shalt  }
0x71: {  	_ =	shalt  }
0x72: {  	_ =	shalt  }
0x73: {  	_ =	shalt  }
0x74: {  	_ =	shalt  }
0x75: {  	_ =	shalt  }
0x76: {  	_ =	shalt  }
0x77: {  	_ =	shalt  }
0x78: {  	_ =	shalt  }
0x79: {  	_ =	shalt  }
0x7a: {  	_ =	shalt  }
0x7b: {  	_ =	shalt  }
0x7c: {  	_ =	shalt  }
0x7d: {  	_ =	shalt  }
0x7e: {  	_ =	shalt  }
0x7f: {  	_ =	shalt  }
0x80: {  	_ =	shalt  }
0x81: {  	_ =	shalt  }
0x82: {  	_ =	shalt  }
0x83: {  	_ =	shalt  }
0x84: {  	_ =	shalt  }
0x85: {  	_ =	shalt  }
0x86: {  	_ =	shalt  }
0x87: {  	_ =	shalt  }
.Lfunc_end0:
.L_simem_size_0:
called_computation.1_lowered:
.L_overlay_start_0:
0x88: {  	s2 =	sld [smem:$0x3FD9]  }
0x89: {  	s3 =	sld [smem:$0x3FFE];
	_ =	sdelay $0x1  }
0x8a: {  	s1 =	srdreg.scid  }
0x8b: {  	s0 =	sand.u32 $0x1, s1  }
0x8c: {  	s16 =	sshll.u32 s0, $0xA;
	s2 =	sadd.s32 s3, s2  }
0x8d: {  	s2 =	sadd.s32 s2, s16  }
0x8e: {  	[smem:$0x3FC2] =	sst s2  }
0x8f: {  	_ = 	snop  }
0x90: {  	(tm) =	ssettm $0x1  }
0x91: {  	s17 =	sld [smem:$0x3FFB];
	_ =	sdelay $0x3  }
0x92: {  	_ =	strace s17  }
0x93: {  	s2 =	sld [smem:$0x3FFC];
	_ =	sdelay $0x3  }
0x94: {  	_ =	strace s2  }
0x95: {  	s2 =	sld [smem:$0x3FFD];
	_ =	sdelay $0x3  }
0x96: {  	_ =	strace s2  }
0x97: {  	_ =	strace $0x8FFFFFFF  }
0x98: {  	s18 =	sld [smem:$0x3FDB];
	_ =	sdelay $0x1  }
0x99: {  	s19 =	simm.s32 $_scs_section_size  }
0x9a: {  	s4 =	simm.s32 $_size__tile_overlayer_lowered;
	s5 =	simm.s32 $_tile_overlayer_lowered  }
0x9b: {  	s22 =	simm.s32 $0x1BFF;
	s21 =	sshll.u32 s5, $0x1;
	s2 =	sadd.s32 s19, s18  }
0x9c: {  	s6 =	simm.s32 $0x0;
	s20 =	sshll.u32 s4, $0x1;
	s4 =	sadd.s32 s21, s2  }
0x9d: {  	[timem:s6], [sflag:s22] =	dma.local [hbm:s4], s20  }
0x9e: {  	_ =	swait.ge [sflag:s22], s20  }
0x9f: {  	s3 =	ssub.s32 $0x0, s20;
	[sflag:s22] =	ssyncset.done $0x0  }
0xa0: {  	[sflag:s22] =	ssyncadd.s32 s3;
	_ =	sdelay $0x1  }
0xa1: {  	s23 =	simm.s32 $0x1B8B  }
0xa2: {  	_ =	swait.ge [sflag:s23], $0x1  }
0xa3: {  	[sflag:s23] =	ssyncset.done $0x0  }
0xa4: {  	s25 =	simm.s32 $0x1B8E;
	s24 =	sld [smem:$0x3FFE];
	[sflag:s23] =	ssyncadd.s32 $0xFFFFFFFF  }
0xa5: {  	s26 =	simm.s32 $execute0_lowered;
	[smem:$0x3FD2] =	sst s25  }
0xa6: {  	s4 =	sshll.u32 s26, $0x1;
	_ =	strace $0x80000049;
	[dreg:$0x1] =	wrdreg $0xFFFFFFFF  }
0xa7: {  	s28 =	simm.s32 $_size_execute0_lowered;
	s2 =	sadd.s32 s2, s4;
	[dreg:$0x0] =	wrdreg $0x0  }
0xa8: {  	s4 =	sshll.u32 s28, $0x1;
	[dreg:$0x2] =	wrdreg s2  }
0xa9: {  	[dreg:$0x3] =	wrdreg s4  }
0xaa: {  	[dreg:$0x4] =	wrdreg $0xC0  }
0xab: {  	_ =	task [dreg:s6], $0x5FFFF  }
0xac: {  	[dreg:$0x1] =	wrdreg $0xFFFFFFFF  }
0xad: {  	[dreg:$0x0] =	wrdreg $0x60  }
0xae: {  	[dreg:$0x2] =	wrdreg s24  }
0xaf: {  	[dreg:$0x3] =	wrdreg $0x41000  }
0xb0: {  	[dreg:$0x4] =	wrdreg $0x9  }
0xb1: {  	_ =	task.clear_ibuf [dreg:s6], $0x5FFFF;
	_ =	strace $0x90000049  }
0xb2: {  	s29 =	simm.s32 $0x9;
	_ =	strace $0x8000004B  }
0xb3: {  	_ =	swait.ge [sflag:s29], $0x1  }
0xb4: {  	[sflag:s29] =	ssyncadd.s32 $0xFFFFFFFF  }
0xb5: {  	_ =	strace $0x9000004B  }
0xb6: {  	_ =	sfence  }
0xb7: {  	s30 =	sld [smem:$0x0];
	_ =	sdelay $0x2  }
0xb8: {  	s31 =	sshll.u32 s1, $0xD;
	s1 =	sshrl.u32 s1, $0x2  }
0xb9: {  	s3 =	sand.u32 $0x4000, s31;
	s1 =	sadd.s32 s1, s30  }
0xba: {  	s0 =	sor.u32 s3, s0;
	s1 =	sshll.u32 s1, $0x11  }
0xbb: {  	s0 =	sor.u32 s1, s0  }
0xbc: {  	s0 =	sadd.s32 $0x8F2B, s0  }
0xbd: {  	[sflag:s0] =	ssyncadd.remote.s32 $0x1  }
0xbe: {  	_ =	sfence.sel $0xFFFF  }
0xbf: {  	[dreg:$0x0] =	wrdreg $0xFFFFFFFF;
	(pc) =	sbr.abs _section_cstart, $3  }
0xc0: {  	[dreg:$0x1] =	wrdreg $0xFFFFFFFF  }
0xc1: {  	_ =	task.clear_ibuf [dreg:s6], $0x2FFFF;
	_ =	strace $0x9FFFFFFF  }
0xc2: {  	(tm) =	ssettm $0x7FFFFFFF  }
0xc3: {  	_ =	shalt  }
tec
execute0_lowered:
.L_overlay_start_1:
0x0: {  	(tag) =	ssettag $0x1  }
0x1: {  	s5 =	rddreg [dreg:$0x0]  }
0x2: {  	s2 =	rddreg [dreg:$0x1]  }
0x3: {  	s0 =	rddreg [dreg:$0x2];
	s1 =	stileid.u32  }
0x4: {  	s3 =	simm.s32 $0x0;
	s4 =	srdreg.scid;
	s15 =	simm.s32 $0x100  }
0x5: {  	s16 =	simm.s32 $0x2;
	s17 =	simm.s32 $0x80;
	s6 =	smul.u32 $0x37, s1  }
0x6: {  	s18 =	simm.s32 $0x1;
	s7 =	sand.u32 $0x1, s4;
	s4 =	smul.u32 $0x69, s1  }
0x7: {  	s21 =	simm.s32 $0x0;
	[smem:$0x7FF] =	sst s3;
	s9 =	smul.u32 $0x14000, s1  }
0x8: {  	s10 =	smul.u32 $0x50000, s1;
	s19 =	sshll.u32 s1, $0x6;
	p0 =	seq.s32 s7, $0x0  }
0x9: {  	s8 =	smul.u32 $0x140000, s7;
	_ =	strace $0x8000004A;
	s7 =	ssub.s32 $0x2, s7  }
0xa: {  	s19 =	sor.u32 $0x1C02, s19;
	s6 =	sadd.s32 $0x690, s6;
	s30 =	sshrl.u32 s7, $0x1  }
0xb: {  	s31 =	sshrl.u32 s10, $0x2;
	s6 =	smov.u32 @p0 s4;
	s4 =	sadd.s32 $0x3EA00, s5  }
0xc: {  	s29 =	sadd.s32 s9, s8;
	s12 =	ssub.s32 s7, s30;
	s6 =	sshll.u32 s6, $0x4  }
0xd: {  	s8 =	simm.s32 $0x69;
	s14 =	sadd.s32 s6, s5;
	s6 =	sshrl.u32 s29, $0x3  }
0xe: {  	s8 =	simm.s32 @!p0 $0x37;
	s12 =	smax.u32 s12, $0x1;
	s11 =	sadd.s32 s6, s5  }
0xf: {  	s5 =	sadd.s32 s31, s2;
	s13 =	sadd.s32 $0xC800, s14;
	s14 =	sadd.s32 $0x2600, s14  }
0x10: {  	s6 =	sadd.s32 $0x4000, s5;
	s7 =	sadd.s32 $0x8000, s5;
	s9 =	sadd.s32 $0xC000, s5  }
0x11: {  	v0 =	vimm.f32 $0.0e+00;
	s10 =	sadd.s32 $0x10000, s5;
	s11 =	sadd.s32 $0x66A00, s11;
	s20 =	sshrl.u32 s5, $0x3  }
.LBB2_1:
0x12: {  	s22 =	simm.s32 $0x0;
	s23 =	simm.s32 $0x200  }
.LBB2_2:
0x13: {  	p0 =	sne.s32 s23, $0xFE00;
	[tilespmem:s22+$0x170] =	vst v0  }
0x14: {  	[tilespmem:s22+$0x100] =	vst v0  }
0x15: {  	[tilespmem:s22+$0x110] =	vst v0  }
.Ltmp0:
0x16: {  	[tilespmem:s22+$0x120] =	vst v0;
	(pc) =	sbr.rel @p0 .LBB2_2-.Ltmp0, $4  }
0x17: {  	[tilespmem:s22+$0x130] =	vst v0  }
0x18: {  	[tilespmem:s22+$0x140] =	vst v0  }
0x19: {  	[tilespmem:s22+$0x150] =	vst v0  }
0x1a: {  	[tilespmem:s22+$0x160] =	vst v0;
	s22 =	sshra.s32 s23, $0x2;
	s23 =	sadd.s32 $0x200, s23  }
0x1b: {  	[tilespmem:s22+$0x170] =	vst v0  }
0x1c: {  	[tilespmem:s22+$0x100] =	vst v0  }
0x1d: {  	[tilespmem:s22+$0x110] =	vst v0  }
0x1e: {  	[tilespmem:s22+$0x120] =	vst v0  }
0x1f: {  	[tilespmem:s22+$0x130] =	vst v0  }
0x20: {  	[tilespmem:s22+$0x140] =	vst v0  }
0x21: {  	[tilespmem:s22+$0x150] =	vst v0  }
0x22: {  	[tilespmem:s22+$0x160] =	vst v0  }
0x23: {  	[spmem:s5] =	stream.linear.scatter [tilespmem:s15], [sflag:$0x2], $0x4000, $0x38;
	[tilespmem:$0x18100] =	vst v63  }
0x24: {  	_ =	swait.ge [sflag:s16], $0x4000  }
0x25: {  	[sflag:s16] =	ssyncset.done $0x0  }
0x26: {  	[sflag:s16] =	ssyncadd.s32 $0xFFFFC000  }
0x27: {  	[spmem:s6] =	stream.linear.scatter [tilespmem:s15], [sflag:$0x2], $0x4000, $0x38;
	[tilespmem:$0x18100] =	vst v63  }
0x28: {  	_ =	swait.ge [sflag:s16], $0x4000  }
0x29: {  	[sflag:s16] =	ssyncset.done $0x0  }
0x2a: {  	[sflag:s16] =	ssyncadd.s32 $0xFFFFC000  }
0x2b: {  	[spmem:s7] =	stream.linear.scatter [tilespmem:s15], [sflag:$0x2], $0x4000, $0x38;
	[tilespmem:$0x18100] =	vst v63  }
0x2c: {  	_ =	swait.ge [sflag:s16], $0x4000  }
0x2d: {  	[sflag:s16] =	ssyncset.done $0x0  }
0x2e: {  	[sflag:s16] =	ssyncadd.s32 $0xFFFFC000  }
0x2f: {  	[spmem:s9] =	stream.linear.scatter [tilespmem:s15], [sflag:$0x2], $0x4000, $0x38;
	[tilespmem:$0x18100] =	vst v63  }
0x30: {  	_ =	swait.ge [sflag:s16], $0x4000  }
0x31: {  	[sflag:s16] =	ssyncset.done $0x0  }
0x32: {  	[sflag:s16] =	ssyncadd.s32 $0xFFFFC000  }
0x33: {  	[spmem:s10] =	stream.linear.scatter [tilespmem:s15], [sflag:$0x2], $0x4000, $0x38;
	[tilespmem:$0x18100] =	vst v63  }
0x34: {  	_ =	swait.ge [sflag:s16], $0x4000  }
0x35: {  	[sflag:s16] =	ssyncset.done $0x0  }
0x36: {  	[sflag:s16] =	ssyncadd.s32 $0xFFFFC000  }
0x37: {  	[bflag:$0x0] =	sbarrier.arrive $0xFFFF  }
0x38: {  	[tilespmem:s3], [sflag:$0x2] =	stream.linear.gather [hbm4b:s14+s3], $0x80, $0x38;
	[tilespmem:$0x18100] =	vst v63  }
0x39: {  	_ =	swait.ge [sflag:s16], $0x80  }
0x3a: {  	[sflag:s16] =	ssyncset.done $0x0  }
0x3b: {  	[sflag:s16] =	ssyncadd.s32 $0xFFFFFF80  }
0x3c: {  	[tilespmem:s17], [sflag:$0x2] =	stream.linear.gather [hbm4b:s13+s3], $0x80, $0x38;
	[tilespmem:$0x18100] =	vst v63  }
0x3d: {  	_ =	swait.ge [sflag:s16], $0x80  }
0x3e: {  	[sflag:s16] =	ssyncset.done $0x0  }
0x3f: {  	[sflag:s16] =	ssyncadd.s32 $0xFFFFFF80  }
0x40: {  	[tilespmem:s15], [sflag:$0x1] =	stream.indirect.gather [hbm4b:s4+s17], $0x80, s3, s17, $0xb8;
	[tilespmem:$0x18100] =	vst v63  }
0x41: {  	p0 =	sne.s32 s8, $0x1;
	_ =	swait.ge [sflag:s18], $0x4000  }
.Ltmp1:
0x42: {  	[sflag:s18] =	ssyncset.done $0x0;
	(pc) =	sbr.rel @!p0 .LBB2_5-.Ltmp1, $4  }
0x43: {  	[sflag:s18] =	ssyncadd.s32 $0xFFFFC000  }
0x44: {  	[spmem:s2] =	stream.indirect.scatter.add.f32 [tilespmem:s15], [sflag:$0x2], $0x80, s17, s17, $0xb8;
	[tilespmem:$0x18100] =	vst v63  }
0x45: {  	s22 =	sadd.s32 $0xFFFFFFFF, s8;
	_ =	swait.ge [sflag:s16], $0x4000  }
0x46: {  	s23 =	smov.u32 s13;
	s24 =	smov.u32 s14;
	[sflag:s16] =	ssyncset.done $0x0  }
.LBB2_4:
0x47: {  	[sflag:s16] =	ssyncadd.s32 $0xFFFFC000;
	s23 =	sadd.s32 $0x10, s23;
	s24 =	sadd.s32 $0x10, s24  }
0x48: {  	[tilespmem:s3], [sflag:$0x2] =	stream.linear.gather [hbm4b:s24+s3], $0x80, $0x38;
	[tilespmem:$0x18100] =	vst v63  }
0x49: {  	p0 =	sne.s32 s22, $0x1;
	s22 =	sadd.s32 $0xFFFFFFFF, s22;
	_ =	swait.ge [sflag:s16], $0x80  }
0x4a: {  	[sflag:s16] =	ssyncset.done $0x0  }
0x4b: {  	[sflag:s16] =	ssyncadd.s32 $0xFFFFFF80  }
0x4c: {  	[tilespmem:s17], [sflag:$0x2] =	stream.linear.gather [hbm4b:s23+s3], $0x80, $0x38;
	[tilespmem:$0x18100] =	vst v63  }
0x4d: {  	_ =	swait.ge [sflag:s16], $0x80  }
0x4e: {  	[sflag:s16] =	ssyncset.done $0x0  }
0x4f: {  	[sflag:s16] =	ssyncadd.s32 $0xFFFFFF80  }
0x50: {  	[tilespmem:s15], [sflag:$0x1] =	stream.indirect.gather [hbm4b:s4+s17], $0x80, s3, s17, $0xb8;
	[tilespmem:$0x18100] =	vst v63  }
0x51: {  	_ =	swait.ge [sflag:s18], $0x4000  }
.Ltmp2:
0x52: {  	[sflag:s18] =	ssyncset.done $0x0;
	(pc) =	sbr.rel @p0 .LBB2_4-.Ltmp2, $4  }
0x53: {  	[sflag:s18] =	ssyncadd.s32 $0xFFFFC000  }
0x54: {  	[spmem:s2] =	stream.indirect.scatter.add.f32 [tilespmem:s15], [sflag:$0x2], $0x80, s17, s17, $0xb8;
	[tilespmem:$0x18100] =	vst v63  }
0x55: {  	_ =	swait.ge [sflag:s16], $0x4000  }
0x56: {  	[sflag:s16] =	ssyncset.done $0x0  }
.LBB2_5:
0x57: {  	s21 =	sadd.s32 $0x1, s21  }
0x58: {  	[sflag:s16] =	ssyncadd.s32 $0xFFFFC000;
	p0 =	sne.s32 s21, s12  }
.Ltmp3:
0x59: {  	[bflag:$0x0] =	sbarrier.arrive $0xFFFF;
	(pc) =	sbr.rel @p0 .LBB2_1-.Ltmp3, $4  }
0x5a: {  	[hbm:s11], [sflag:s19] =	dma.local [spmem:s20], $0x2800  }
0x5b: {  	_ =	swait.ge [sflag:s16], $0x2800  }
0x5c: {  	[sflag:s16] =	ssyncset.done $0x0  }
0x5d: {  	[sflag:s16] =	ssyncadd.s32 $0xFFFFD800  }
0x5e: {  	_ =	sfence.sel $0x180000  }
0x5f: {  	[bflag:$0x0] =	sbarrier.arrive $0xFFFF  }
0x60: {  	p0 =	sne.s32 s1, $0x0;
	_ =	strace $0x9000004A  }
0x61: {  	s0 =	sadd.s32 @!p0 $0x100000, s0;
	[bflag:$0x2] =	sbarrier.arrive $0xFFFF  }
0x62: {  	[sflag:s0] =	ssyncadd.tile.s32 @!p0 $0x1;
	_ =	shalt  }
.Lfunc_end2:
_tile_overlayer_lowered:
.L_overlay_start_2:
0x63: {  	(tag) =	ssettag $0x2  }
0x64: {  	s0 =	rddreg [dreg:$0x0];
	s2 =	stileid.u32  }
0x65: {  	s1 =	rddreg [dreg:$0x1];
	p0 =	sne.s32 s2, $0x0  }
0x66: {  	s3 =	rddreg [dreg:$0x2];
	[bflag:$0x3] =	sbarrier.arrive $0xFFFF;
	s2 =	simm.s32 @!p0 $0x1C02  }
0x67: {  	[timem:s3], [sflag:s2] =	dma.local @!p0 [hbm:s0], s1  }
0x68: {  	s0 =	simm.s32 @!p0 $0x2  }
0x69: {  	_ =	swait.ge @!p0 [sflag:s0], s1  }
0x6a: {  	s1 =	ssub.s32 @!p0 $0x0, s1;
	[sflag:s0] =	ssyncset.done @!p0 $0x0  }
0x6b: {  	[sflag:s0] =	ssyncadd.s32 @!p0 s1  }
0x6c: {  	[bflag:$0x3] =	sbarrier.arrive $0xFFFF  }
0x6d: {  	_ =	shalt  }

// kernel: kernel.15.cloned.1.call-start
scs
__scs_entry_jumppad:
0x0: {  	(pc) =	sbr.rel $0x88, $3  }
0x1: {  	(tag) =	ssettag $0x0;
	lr =	simm.s32 $0x1  }
0x2: {  	[smem:$0x3F9B] =	sst lr;
	_ =	strace $0xD0000000  }
0x3: {  	_ = 	snop  }
0x4: {  	_ = 	snop  }
0x5: {  	_ = 	snop  }
0x6: {  	_ = 	snop  }
0x7: {  	_ = 	snop  }
__scs_overlays_trampoline_lowered:
0x8: {  	[smem:$0x3FAA] =	sst s0  }
0x9: {  	[smem:$0x3FAB] =	sst s1  }
0xa: {  	[smem:$0x3FAC] =	sst s2  }
0xb: {  	[smem:$0x3FAD] =	sst s3  }
0xc: {  	[smem:$0x3FAE] =	sst s4  }
0xd: {  	[smem:$0x3FAF] =	sst s5  }
0xe: {  	[smem:$0x3FB0] =	sst s6  }
0xf: {  	[smem:$0x3FB1] =	sst s7  }
0x10: {  	[smem:$0x3FB2] =	sst s8  }
0x11: {  	[smem:$0x3FB3] =	sst s9;
	s0 =	simm.s32 @!p0 $0x0  }
0x12: {  	s1 =	sld [smem:$0x3F99];
	s0 =	simm.s32 @p0 $0x1  }
0x13: {  	[smem:$0x3FB4] =	sst s0;
	s0 =	simm.s32 @!p1 $0x0  }
0x14: {  	s2 =	sld [smem:$0x3F98];
	s0 =	simm.s32 @p1 $0x1  }
0x15: {  	[smem:$0x3FB5] =	sst s0;
	s0 =	simm.s32 @!p2 $0x0  }
0x16: {  	s3 =	sld [smem:$0x3FDB];
	s0 =	simm.s32 @p2 $0x1  }
0x17: {  	s4 =	simm.s32 $0x1BF5;
	[smem:$0x3FB7] =	sst s0  }
0x18: {  	s0 =	sld [smem:$0x3F9A];
	_ =	swait.ge [sflag:s4], $0x0  }
0x19: {  	s7 =	sld [smem:$0x3F9B]  }
0x1a: {  	s8 =	sadd.s32 $0xFFFFE003, lr  }
0x1b: {  	s9 =	sadd.s32 $0xFFFFFEF7, lr;
	s5 =	simm.s32 $0xFFFFFFFF;
	p2 =	slt.u32 s8, $0xFFFFF086  }
0x1c: {  	p1 =	slt.u32 s9, $0xF7A;
	s5 =	simm.s32 @!p2 $0x0  }
0x1d: {  	s5 =	simm.s32 @p1 $0x1;
	p0 =	seq.s32 s7, s2  }
0x1e: {  	s7 =	smul.u32 @!p0 $0xF7A, s2;
	p2 =	seq.s32 @!p0 s5, $0x0  }
0x1f: {  	s9 =	smul.u32 $0xF7A, s1;
	s8 =	simm.s32 @!p0 $0x1BF5;
	p2 =	por !p2, p0  }
0x20: {  	[sflag:s8] =	ssyncset.s32 @!p0 $0xFFFFF086;
	s6 =	sadd.s32 @!p0 s3, s7;
	s7 =	simm.s32 @!p0 $0x108  }
0x21: {  	s3 =	sadd.s32 s3, s9;
	s6 =	sadd.s32 @!p0 $0x88, s6;
	s7 =	simm.s32 @p2 $0x1082  }
0x22: {  	[simem:s7], [sflag:s8] =	dma.local @!p0 [hbm:s6], $0xF7A  }
0x23: {  	s9 =	sor.u32 $0xD0000000, s2;
	s6 =	simm.s32 $0x108;
	_ =	swait.ge @!p0 [sflag:s8], $0x0  }
0x24: {  	s3 =	sadd.s32 $0x88, s3;
	s6 =	simm.s32 @!p1 $0x1082;
	[sflag:s4] =	ssyncset.s32 $0xFFFFF086  }
0x25: {  	[simem:s6], [sflag:s4] =	dma.local [hbm:s3], $0xF7A  }
0x26: {  	[smem:$0x3F9B] =	sst s1;
	(tag) =	ssettag s2;
	_ =	strace s9  }
0x27: {  	s1 =	sld [smem:$0x3FAB]  }
0x28: {  	s2 =	sld [smem:$0x3FAC]  }
0x29: {  	s4 =	sld [smem:$0x3FAE]  }
0x2a: {  	p0 =	seq.s32 s5, $0x0;
	s5 =	sld [smem:$0x3FAF]  }
0x2b: {  	s6 =	sld [smem:$0x3FB0]  }
0x2c: {  	s7 =	sld [smem:$0x3FB1]  }
0x2d: {  	s3 =	simm.s32 $0x108;
	s8 =	sld [smem:$0x3FB2]  }
0x2e: {  	s3 =	simm.s32 @!p0 $0x1082;
	s9 =	sld [smem:$0x3FB3]  }
0x2f: {  	lr =	sadd.s32 s0, s3;
	s0 =	sld [smem:$0x3FAA]  }
0x30: {  	s3 =	sld [smem:$0x3FAD]  }
0x31: {  	[smem:$0x3FB6] =	sst s10  }
0x32: {  	s10 =	sld [smem:$0x3FB4];
	_ =	sdelay $0x3  }
0x33: {  	p0 =	seq.s32 s10, $0x1;
	s10 =	sld [smem:$0x3FB6];
	_ =	sdelay $0x3  }
0x34: {  	[smem:$0x3FB6] =	sst s10  }
0x35: {  	s10 =	sld [smem:$0x3FB5];
	_ =	sdelay $0x3  }
0x36: {  	p1 =	seq.s32 s10, $0x1;
	s10 =	sld [smem:$0x3FB6];
	_ =	sdelay $0x3  }
0x37: {  	[smem:$0x3FB6] =	sst s10  }
0x38: {  	s10 =	sld [smem:$0x3FB7]  }
0x39: {  	_ = 	snop;
	(pc) =	sbr.ind lr, $3  }
0x3a: {  	_ = 	snop  }
0x3b: {  	_ = 	snop  }
0x3c: {  	p2 =	seq.s32 s10, $0x1;
	s10 =	sld [smem:$0x3FB6]  }
0x3d: {  	_ =	shalt  }
0x3e: {  	_ =	shalt  }
0x3f: {  	_ =	shalt  }
0x40: {  	_ =	shalt  }
0x41: {  	_ =	shalt  }
0x42: {  	_ =	shalt  }
0x43: {  	_ =	shalt  }
0x44: {  	_ =	shalt  }
0x45: {  	_ =	shalt  }
0x46: {  	_ =	shalt  }
0x47: {  	_ =	shalt  }
0x48: {  	_ =	shalt  }
0x49: {  	_ =	shalt  }
0x4a: {  	_ =	shalt  }
0x4b: {  	_ =	shalt  }
0x4c: {  	_ =	shalt  }
0x4d: {  	_ =	shalt  }
0x4e: {  	_ =	shalt  }
0x4f: {  	_ =	shalt  }
0x50: {  	_ =	shalt  }
0x51: {  	_ =	shalt  }
0x52: {  	_ =	shalt  }
0x53: {  	_ =	shalt  }
0x54: {  	_ =	shalt  }
0x55: {  	_ =	shalt  }
0x56: {  	_ =	shalt  }
0x57: {  	_ =	shalt  }
0x58: {  	_ =	shalt  }
0x59: {  	_ =	shalt  }
0x5a: {  	_ =	shalt  }
0x5b: {  	_ =	shalt  }
0x5c: {  	_ =	shalt  }
0x5d: {  	_ =	shalt  }
0x5e: {  	_ =	shalt  }
0x5f: {  	_ =	shalt  }
0x60: {  	_ =	shalt  }
0x61: {  	_ =	shalt  }
0x62: {  	_ =	shalt  }
0x63: {  	_ =	shalt  }
0x64: {  	_ =	shalt  }
0x65: {  	_ =	shalt  }
0x66: {  	_ =	shalt  }
0x67: {  	_ =	shalt  }
0x68: {  	_ =	shalt  }
0x69: {  	_ =	shalt  }
0x6a: {  	_ =	shalt  }
0x6b: {  	_ =	shalt  }
0x6c: {  	_ =	shalt  }
0x6d: {  	_ =	shalt  }
0x6e: {  	_ =	shalt  }
0x6f: {  	_ =	shalt  }
0x70: {  	_ =	shalt  }
0x71: {  	_ =	shalt  }
0x72: {  	_ =	shalt  }
0x73: {  	_ =	shalt  }
0x74: {  	_ =	shalt  }
0x75: {  	_ =	shalt  }
0x76: {  	_ =	shalt  }
0x77: {  	_ =	shalt  }
0x78: {  	_ =	shalt  }
0x79: {  	_ =	shalt  }
0x7a: {  	_ =	shalt  }
0x7b: {  	_ =	shalt  }
0x7c: {  	_ =	shalt  }
0x7d: {  	_ =	shalt  }
0x7e: {  	_ =	shalt  }
0x7f: {  	_ =	shalt  }
0x80: {  	_ =	shalt  }
0x81: {  	_ =	shalt  }
0x82: {  	_ =	shalt  }
0x83: {  	_ =	shalt  }
0x84: {  	_ =	shalt  }
0x85: {  	_ =	shalt  }
0x86: {  	_ =	shalt  }
0x87: {  	_ =	shalt  }
.Lfunc_end0:
.L_simem_size_0:
called_computation.2_lowered:
.L_overlay_start_0:
0x88: {  	s2 =	sld [smem:$0x3FD9]  }
0x89: {  	s3 =	sld [smem:$0x3FFE];
	_ =	sdelay $0x1  }
0x8a: {  	s1 =	srdreg.scid  }
0x8b: {  	s0 =	sand.u32 $0x1, s1  }
0x8c: {  	s16 =	sshll.u32 s0, $0xA;
	s2 =	sadd.s32 s3, s2  }
0x8d: {  	s2 =	sadd.s32 s2, s16  }
0x8e: {  	[smem:$0x3FC2] =	sst s2  }
0x8f: {  	_ = 	snop  }
0x90: {  	(tm) =	ssettm $0x1  }
0x91: {  	s17 =	sld [smem:$0x3FFB];
	_ =	sdelay $0x3  }
0x92: {  	_ =	strace s17  }
0x93: {  	s2 =	sld [smem:$0x3FFC];
	_ =	sdelay $0x3  }
0x94: {  	_ =	strace s2  }
0x95: {  	s2 =	sld [smem:$0x3FFD];
	_ =	sdelay $0x3  }
0x96: {  	_ =	strace s2  }
0x97: {  	_ =	strace $0x8FFFFFFF  }
0x98: {  	s18 =	sld [smem:$0x3FDB];
	_ =	sdelay $0x1  }
0x99: {  	s19 =	simm.s32 $_scs_section_size  }
0x9a: {  	s4 =	simm.s32 $_size__tile_overlayer_lowered;
	s5 =	simm.s32 $_tile_overlayer_lowered  }
0x9b: {  	s22 =	simm.s32 $0x1BFF;
	s21 =	sshll.u32 s5, $0x1;
	s2 =	sadd.s32 s19, s18  }
0x9c: {  	s6 =	simm.s32 $0x0;
	s20 =	sshll.u32 s4, $0x1;
	s4 =	sadd.s32 s21, s2  }
0x9d: {  	[timem:s6], [sflag:s22] =	dma.local [hbm:s4], s20  }
0x9e: {  	_ =	swait.ge [sflag:s22], s20  }
0x9f: {  	s3 =	ssub.s32 $0x0, s20;
	[sflag:s22] =	ssyncset.done $0x0  }
0xa0: {  	[sflag:s22] =	ssyncadd.s32 s3;
	_ =	sdelay $0x1  }
0xa1: {  	s23 =	simm.s32 $0x1B8B  }
0xa2: {  	_ =	swait.ge [sflag:s23], $0x1  }
0xa3: {  	[sflag:s23] =	ssyncset.done $0x0  }
0xa4: {  	s25 =	simm.s32 $0x1B8E;
	s24 =	sld [smem:$0x3FFE];
	[sflag:s23] =	ssyncadd.s32 $0xFFFFFFFF  }
0xa5: {  	s26 =	simm.s32 $execute0_lowered;
	[smem:$0x3FD2] =	sst s25  }
0xa6: {  	s4 =	sshll.u32 s26, $0x1;
	_ =	strace $0x8000004C;
	[dreg:$0x1] =	wrdreg $0xFFFFFFFF  }
0xa7: {  	s28 =	simm.s32 $_size_execute0_lowered;
	s2 =	sadd.s32 s2, s4;
	[dreg:$0x0] =	wrdreg $0x0  }
0xa8: {  	s4 =	sshll.u32 s28, $0x1;
	[dreg:$0x2] =	wrdreg s2  }
0xa9: {  	[dreg:$0x3] =	wrdreg s4  }
0xaa: {  	[dreg:$0x4] =	wrdreg $0xC0  }
0xab: {  	_ =	task [dreg:s6], $0x5FFFF  }
0xac: {  	[dreg:$0x1] =	wrdreg $0xFFFFFFFF  }
0xad: {  	[dreg:$0x0] =	wrdreg $0x60  }
0xae: {  	[dreg:$0x2] =	wrdreg s24  }
0xaf: {  	[dreg:$0x3] =	wrdreg $0x9  }
0xb0: {  	_ =	task.clear_ibuf [dreg:s6], $0x4FFFF;
	_ =	strace $0x9000004C  }
0xb1: {  	s29 =	simm.s32 $0x9;
	_ =	strace $0x8000004E  }
0xb2: {  	_ =	swait.ge [sflag:s29], $0x1  }
0xb3: {  	[sflag:s29] =	ssyncadd.s32 $0xFFFFFFFF  }
0xb4: {  	_ =	strace $0x9000004E  }
0xb5: {  	_ =	sfence  }
0xb6: {  	s30 =	sld [smem:$0x0];
	_ =	sdelay $0x2  }
0xb7: {  	s31 =	sshll.u32 s1, $0xD;
	s1 =	sshrl.u32 s1, $0x2  }
0xb8: {  	s3 =	sand.u32 $0x4000, s31;
	s1 =	sadd.s32 s1, s30  }
0xb9: {  	s0 =	sor.u32 s3, s0;
	s1 =	sshll.u32 s1, $0x11  }
0xba: {  	s0 =	sor.u32 s1, s0  }
0xbb: {  	s0 =	sadd.s32 $0x8F2B, s0  }
0xbc: {  	[sflag:s0] =	ssyncadd.remote.s32 $0x1  }
0xbd: {  	_ =	sfence.sel $0xFFFF  }
0xbe: {  	[dreg:$0x0] =	wrdreg $0xFFFFFFFF;
	(pc) =	sbr.abs _section_cstart, $3  }
0xbf: {  	[dreg:$0x1] =	wrdreg $0xFFFFFFFF  }
0xc0: {  	_ =	task.clear_ibuf [dreg:s6], $0x2FFFF;
	_ =	strace $0x9FFFFFFF  }
0xc1: {  	(tm) =	ssettm $0x7FFFFFFF  }
tec
execute0_lowered:
.L_overlay_start_1:
0x0: {  	(tag) =	ssettag $0x1  }
0x1: {  	s5 =	rddreg [dreg:$0x0]  }
0x2: {  	s0 =	rddreg [dreg:$0x1]  }
0x3: {  	s1 =	stileid.u32;
	s3 =	srdreg.scid;
	s2 =	simm.s32 $0x0  }
0x4: {  	s11 =	simm.s32 $0x80;
	s12 =	simm.s32 $0x100;
	s13 =	simm.s32 $0x1  }
0x5: {  	s14 =	simm.s32 $0x2800;
	s15 =	simm.s32 $0x5000;
	s16 =	simm.s32 $0x7800  }
0x6: {  	s17 =	simm.s32 $0x0;
	s4 =	smul.u32 $0x1AE0, s1;
	s6 =	sand.u32 $0x1, s3  }
0x7: {  	s3 =	smul.u32 $0x3420, s1;
	s7 =	sshll.u32 s1, $0x1;
	[smem:$0x7FF] =	sst s2  }
0x8: {  	p0 =	seq.s32 s6, $0x0;
	s30 =	sor.u32 s6, s7;
	_ =	strace $0x8000004D  }
0x9: {  	s6 =	ssub.s32 $0x2, s6;
	s4 =	sadd.s32 $0x34200, s4;
	s7 =	smul.u32 $0xA00, s30  }
0xa: {  	s31 =	sshrl.u32 s6, $0x1;
	s4 =	smov.u32 @p0 s3;
	s3 =	sadd.s32 $0x16A00, s5  }
0xb: {  	s10 =	ssub.s32 s6, s31;
	s4 =	sshrl.u32 s4, $0x3;
	s9 =	sadd.s32 s7, s5  }
0xc: {  	s10 =	smax.u32 s10, $0x1;
	s8 =	sadd.s32 s4, s5;
	s4 =	simm.s32 $0x342  }
0xd: {  	s5 =	sadd.s32 $0x16A10, s5;
	s4 =	simm.s32 @!p0 $0x1AE;
	s6 =	sadd.s32 $0x2600, s8  }
0xe: {  	v0 =	vimm.f32 $0.0e+00;
	s7 =	sadd.s32 $0xC800, s8;
	s8 =	sadd.s32 $0x17400, s9;
	s9 =	sadd.s32 $0x17410, s9  }
.LBB2_1:
0xf: {  	s18 =	simm.s32 $0x40;
	s19 =	simm.s32 $0x0  }
.LBB2_2:
0x10: {  	p0 =	sne.s32 s18, $0x9FC0;
	[tilespmem:s19+$0x5000] =	vst v0;
	s20 =	smov.u32 s18;
	s18 =	sadd.s32 $0x40, s18  }
.Ltmp0:
0x11: {  	[tilespmem:s19+$0x7800] =	vst v0;
	(pc) =	sbr.rel @p0 .LBB2_2-.Ltmp0, $2  }
0x12: {  	_ =	sdelay $0x2  }
0x13: {  	s19 =	sshra.s32 s20, $0x2  }
0x14: {  	[tilespmem:s19+$0x5000] =	vst v0  }
0x15: {  	[tilespmem:s19+$0x7800] =	vst v0  }
0x16: {  	[tilespmem:s2], [sflag:$0x1] =	stream.strided.gather [hbm4b:s3+s11], $0x2800, s12, s11, $0x38;
	[tilespmem:$0x10900] =	vst v63  }
0x17: {  	_ =	swait.ge [sflag:s13], $0x2800  }
0x18: {  	[sflag:s13] =	ssyncset.done $0x0  }
0x19: {  	[sflag:s13] =	ssyncadd.s32 $0xFFFFD800  }
0x1a: {  	[tilespmem:s14], [sflag:$0x1] =	stream.strided.gather [hbm4b:s5+s11], $0x2800, s12, s11, $0x38;
	[tilespmem:$0x10900] =	vst v63  }
0x1b: {  	_ =	swait.ge [sflag:s13], $0x2800  }
0x1c: {  	[sflag:s13] =	ssyncset.done $0x0  }
0x1d: {  	s31 =	simm.s32 $0xA000;
	[sflag:s13] =	ssyncadd.s32 $0xFFFFD800  }
0x1e: {  	[tilespmem:s31], [sflag:$0x1] =	stream.linear.gather [hbm4b:s6+s2], $0x3420, $0x38;
	[tilespmem:$0x10900] =	vst v63  }
0x1f: {  	_ =	swait.ge [sflag:s13], $0x3420  }
0x20: {  	[sflag:s13] =	ssyncset.done $0x0  }
0x21: {  	s18 =	simm.s32 $0xD480;
	p1 =	sne.s32 s4, $0x1;
	[sflag:s13] =	ssyncadd.s32 $0xFFFFCBE0  }
0x22: {  	[tilespmem:s18], [sflag:$0x1] =	stream.linear.gather [hbm4b:s7+s2], $0x3420, $0x38;
	[tilespmem:$0x10900] =	vst v63  }
.Ltmp1:
0x23: {  	_ = 	snop;
	(pc) =	sbr.rel @!p1 .LBB2_4-.Ltmp1, $4  }
0x24: {  	_ =	swait.ge [sflag:s13], $0x3420  }
0x25: {  	[sflag:s13] =	ssyncset.done $0x0  }
0x26: {  	[sflag:s13] =	ssyncadd.s32 $0xFFFFCBE0  }
0x27: {  	s19 =	sadd.s32 $0xFFFFFFFF, s4;
	p0 =	por $0x0, $0x0;
	v1 =	vld [tilespmem:s31+$0x0]  }
0x28: {  	_ =	sdelay $0x4  }
0x29: {  	v2 =	vld [tilespmem:s18+$0x0];
	_ =	sdelay $0x2  }
0x2a: {  	v3 =	vld.idx.msk [tilespmem:v1+s2+$0x0], $0xffff  }
0x2b: {  	v1 =	vld.idx.msk [tilespmem:v1+s14+$0x0], $0xffff;
	_ =	sdelay $0x1  }
0x2c: {  	p1 =	sne.s32 s19, $0x1  }
.Ltmp2:
0x2d: {  	_ = 	snop;
	(pc) =	sbr.rel @!p1 .LBB2_6-.Ltmp2, $4  }
0x2e: {  	[tilespmem:v2+s15+$0x0] =	vst.idx.add.f32.msk $0xffff, v3  }
0x2f: {  	s20 =	simm.s32 $0xA010;
	[tilespmem:v2+s16+$0x0] =	vst.idx.add.f32.msk $0xffff, v1  }
0x30: {  	v1 =	vld [tilespmem:s20+$0x0]  }
0x31: {  	s21 =	sadd.s32 $0xFFFFFFFF, s19;
	p0 =	por $0x1, $0x1;
	s19 =	simm.s32 $0xD480  }
.LBB2_7:
0x32: {  	p1 =	sne.s32 s21, $0x1;
	_ =	sdelay $0x2  }
0x33: {  	s19 =	sadd.s32 $0x10, s19  }
0x34: {  	v2 =	vld [tilespmem:s19+$0x0];
	_ =	sdelay $0x1  }
0x35: {  	v3 =	vld.idx.msk [tilespmem:v1+s2+$0x0], $0xffff  }
0x36: {  	v1 =	vld.idx.msk [tilespmem:v1+s14+$0x0], $0xffff;
	_ =	sdelay $0x3  }
.Ltmp3:
0x37: {  	(pc) =	sbr.rel @p1 .LBB2_7-.Ltmp3, $4  }
0x38: {  	[tilespmem:v2+s15+$0x0] =	vst.idx.add.f32.msk $0xffff, v3  }
0x39: {  	s20 =	sadd.s32 $0x10, s20;
	[tilespmem:v2+s16+$0x0] =	vst.idx.add.f32.msk $0xffff, v1  }
0x3a: {  	v1 =	vld [tilespmem:s20+$0x0]  }
0x3b: {  	s21 =	sadd.s32 $0xFFFFFFFF, s21  }
.LBB2_8:
0x3c: {  	_ =	sdelay $0x1  }
0x3d: {  	s19 =	sadd.s32 @p0 $0x10, s19  }
0x3e: {  	s18 =	smov.u32 @p0 s19  }
0x3f: {  	v2 =	vld [tilespmem:s18+$0x0];
	_ =	sdelay $0x2  }
0x40: {  	v3 =	vld.idx.msk [tilespmem:v1+s2+$0x0], $0xffff  }
0x41: {  	v1 =	vld.idx.msk [tilespmem:v1+s14+$0x0], $0xffff;
	_ =	sdelay $0x3  }
0x42: {  	[tilespmem:v2+s15+$0x0] =	vst.idx.add.f32.msk $0xffff, v3  }
0x43: {  	[tilespmem:v2+s16+$0x0] =	vst.idx.add.f32.msk $0xffff, v1  }
0x44: {  	[hbm4b:s8+s11] =	stream.strided.scatter [tilespmem:s15], [sflag:$0x1], $0x2800, s12, s11, $0x38;
	[tilespmem:$0x10900] =	vst v63  }
0x45: {  	_ =	swait.ge [sflag:s13], $0x2800  }
0x46: {  	s17 =	sadd.s32 $0x1, s17;
	[sflag:s13] =	ssyncset.done $0x0  }
0x47: {  	p0 =	sne.s32 s17, s10;
	[sflag:s13] =	ssyncadd.s32 $0xFFFFD800  }
0x48: {  	[hbm4b:s9+s11] =	stream.strided.scatter [tilespmem:s16], [sflag:$0x1], $0x2800, s12, s11, $0x38;
	[tilespmem:$0x10900] =	vst v63  }
.Ltmp4:
0x49: {  	_ = 	snop;
	(pc) =	sbr.rel @p0 .LBB2_1-.Ltmp4, $4  }
.Ltmp5:
0x4a: {  	_ = 	snop;
	(pc) =	sbr.rel @!p0 .LBB2_9-.Ltmp5, $4  }
0x4b: {  	_ =	swait.ge [sflag:s13], $0x2800  }
0x4c: {  	[sflag:s13] =	ssyncset.done $0x0  }
0x4d: {  	[sflag:s13] =	ssyncadd.s32 $0xFFFFD800  }
0x4e: {  	_ = 	snop  }
.LBB2_4:
.Ltmp6:
0x4f: {  	(pc) =	sbr.rel .LBB2_8-.Ltmp6, $2  }
0x50: {  	_ =	sdelay $0x2  }
0x51: {  	s19 =	simm.s32 $0xD480  }
.LBB2_6:
.Ltmp7:
0x52: {  	(pc) =	sbr.rel .LBB2_8-.Ltmp7, $2  }
0x53: {  	_ =	sdelay $0x2  }
0x54: {  	s19 =	simm.s32 $0xD480  }
.LBB2_9:
0x55: {  	_ =	sfence.sel $0x180000  }
0x56: {  	[bflag:$0x0] =	sbarrier.arrive $0xFFFF  }
0x57: {  	p0 =	sne.s32 s1, $0x0;
	_ =	strace $0x9000004D  }
0x58: {  	s0 =	sadd.s32 @!p0 $0x100000, s0;
	[bflag:$0x2] =	sbarrier.arrive $0xFFFF  }
0x59: {  	[sflag:s0] =	ssyncadd.tile.s32 @!p0 $0x1;
	_ =	shalt  }
.Lfunc_end2:
_tile_overlayer_lowered:
.L_overlay_start_2:
0x5a: {  	(tag) =	ssettag $0x2  }
0x5b: {  	s0 =	rddreg [dreg:$0x0];
	s2 =	stileid.u32  }
0x5c: {  	s1 =	rddreg [dreg:$0x1];
	p0 =	sne.s32 s2, $0x0  }
0x5d: {  	s3 =	rddreg [dreg:$0x2];
	[bflag:$0x3] =	sbarrier.arrive $0xFFFF;
	s2 =	simm.s32 @!p0 $0x1C01  }
0x5e: {  	[timem:s3], [sflag:s2] =	dma.local @!p0 [hbm:s0], s1  }
0x5f: {  	s0 =	simm.s32 @!p0 $0x1  }
0x60: {  	_ =	swait.ge @!p0 [sflag:s0], s1  }
0x61: {  	s1 =	ssub.s32 @!p0 $0x0, s1;
	[sflag:s0] =	ssyncset.done @!p0 $0x0  }
0x62: {  	[sflag:s0] =	ssyncadd.s32 @!p0 s1  }
0x63: {  	[bflag:$0x3] =	sbarrier.arrive $0xFFFF  }
0x64: {  	_ =	shalt  }

// kernel: kernel.9.cloned.1.call-start
scs
__scs_entry_jumppad:
0x0: {  	(pc) =	sbr.rel $0x88, $3  }
0x1: {  	(tag) =	ssettag $0x0;
	lr =	simm.s32 $0x1  }
0x2: {  	[smem:$0x3F9B] =	sst lr;
	_ =	strace $0xD0000000  }
0x3: {  	_ = 	snop  }
0x4: {  	_ = 	snop  }
0x5: {  	_ = 	snop  }
0x6: {  	_ = 	snop  }
0x7: {  	_ = 	snop  }
__scs_overlays_trampoline_lowered:
0x8: {  	[smem:$0x3FAA] =	sst s0  }
0x9: {  	[smem:$0x3FAB] =	sst s1  }
0xa: {  	[smem:$0x3FAC] =	sst s2  }
0xb: {  	[smem:$0x3FAD] =	sst s3  }
0xc: {  	[smem:$0x3FAE] =	sst s4  }
0xd: {  	[smem:$0x3FAF] =	sst s5  }
0xe: {  	[smem:$0x3FB0] =	sst s6  }
0xf: {  	[smem:$0x3FB1] =	sst s7  }
0x10: {  	[smem:$0x3FB2] =	sst s8  }
0x11: {  	[smem:$0x3FB3] =	sst s9;
	s0 =	simm.s32 @!p0 $0x0  }
0x12: {  	s1 =	sld [smem:$0x3F99];
	s0 =	simm.s32 @p0 $0x1  }
0x13: {  	[smem:$0x3FB4] =	sst s0;
	s0 =	simm.s32 @!p1 $0x0  }
0x14: {  	s2 =	sld [smem:$0x3F98];
	s0 =	simm.s32 @p1 $0x1  }
0x15: {  	[smem:$0x3FB5] =	sst s0;
	s0 =	simm.s32 @!p2 $0x0  }
0x16: {  	s3 =	sld [smem:$0x3FDB];
	s0 =	simm.s32 @p2 $0x1  }
0x17: {  	s4 =	simm.s32 $0x1BF5;
	[smem:$0x3FB7] =	sst s0  }
0x18: {  	s0 =	sld [smem:$0x3F9A];
	_ =	swait.ge [sflag:s4], $0x0  }
0x19: {  	s7 =	sld [smem:$0x3F9B]  }
0x1a: {  	s8 =	sadd.s32 $0xFFFFE003, lr  }
0x1b: {  	s9 =	sadd.s32 $0xFFFFFEF7, lr;
	s5 =	simm.s32 $0xFFFFFFFF;
	p2 =	slt.u32 s8, $0xFFFFF086  }
0x1c: {  	p1 =	slt.u32 s9, $0xF7A;
	s5 =	simm.s32 @!p2 $0x0  }
0x1d: {  	s5 =	simm.s32 @p1 $0x1;
	p0 =	seq.s32 s7, s2  }
0x1e: {  	s7 =	smul.u32 @!p0 $0xF7A, s2;
	p2 =	seq.s32 @!p0 s5, $0x0  }
0x1f: {  	s9 =	smul.u32 $0xF7A, s1;
	s8 =	simm.s32 @!p0 $0x1BF5;
	p2 =	por !p2, p0  }
0x20: {  	[sflag:s8] =	ssyncset.s32 @!p0 $0xFFFFF086;
	s6 =	sadd.s32 @!p0 s3, s7;
	s7 =	simm.s32 @!p0 $0x108  }
0x21: {  	s3 =	sadd.s32 s3, s9;
	s6 =	sadd.s32 @!p0 $0x88, s6;
	s7 =	simm.s32 @p2 $0x1082  }
0x22: {  	[simem:s7], [sflag:s8] =	dma.local @!p0 [hbm:s6], $0xF7A  }
0x23: {  	s9 =	sor.u32 $0xD0000000, s2;
	s6 =	simm.s32 $0x108;
	_ =	swait.ge @!p0 [sflag:s8], $0x0  }
0x24: {  	s3 =	sadd.s32 $0x88, s3;
	s6 =	simm.s32 @!p1 $0x1082;
	[sflag:s4] =	ssyncset.s32 $0xFFFFF086  }
0x25: {  	[simem:s6], [sflag:s4] =	dma.local [hbm:s3], $0xF7A  }
0x26: {  	[smem:$0x3F9B] =	sst s1;
	(tag) =	ssettag s2;
	_ =	strace s9  }
0x27: {  	s1 =	sld [smem:$0x3FAB]  }
0x28: {  	s2 =	sld [smem:$0x3FAC]  }
0x29: {  	s4 =	sld [smem:$0x3FAE]  }
0x2a: {  	p0 =	seq.s32 s5, $0x0;
	s5 =	sld [smem:$0x3FAF]  }
0x2b: {  	s6 =	sld [smem:$0x3FB0]  }
0x2c: {  	s7 =	sld [smem:$0x3FB1]  }
0x2d: {  	s3 =	simm.s32 $0x108;
	s8 =	sld [smem:$0x3FB2]  }
0x2e: {  	s3 =	simm.s32 @!p0 $0x1082;
	s9 =	sld [smem:$0x3FB3]  }
0x2f: {  	lr =	sadd.s32 s0, s3;
	s0 =	sld [smem:$0x3FAA]  }
0x30: {  	s3 =	sld [smem:$0x3FAD]  }
0x31: {  	[smem:$0x3FB6] =	sst s10  }
0x32: {  	s10 =	sld [smem:$0x3FB4];
	_ =	sdelay $0x3  }
0x33: {  	p0 =	seq.s32 s10, $0x1;
	s10 =	sld [smem:$0x3FB6];
	_ =	sdelay $0x3  }
0x34: {  	[smem:$0x3FB6] =	sst s10  }
0x35: {  	s10 =	sld [smem:$0x3FB5];
	_ =	sdelay $0x3  }
0x36: {  	p1 =	seq.s32 s10, $0x1;
	s10 =	sld [smem:$0x3FB6];
	_ =	sdelay $0x3  }
0x37: {  	[smem:$0x3FB6] =	sst s10  }
0x38: {  	s10 =	sld [smem:$0x3FB7]  }
0x39: {  	_ = 	snop;
	(pc) =	sbr.ind lr, $3  }
0x3a: {  	_ = 	snop  }
0x3b: {  	_ = 	snop  }
0x3c: {  	p2 =	seq.s32 s10, $0x1;
	s10 =	sld [smem:$0x3FB6]  }
0x3d: {  	_ =	shalt  }
0x3e: {  	_ =	shalt  }
0x3f: {  	_ =	shalt  }
0x40: {  	_ =	shalt  }
0x41: {  	_ =	shalt  }
0x42: {  	_ =	shalt  }
0x43: {  	_ =	shalt  }
0x44: {  	_ =	shalt  }
0x45: {  	_ =	shalt  }
0x46: {  	_ =	shalt  }
0x47: {  	_ =	shalt  }
0x48: {  	_ =	shalt  }
0x49: {  	_ =	shalt  }
0x4a: {  	_ =	shalt  }
0x4b: {  	_ =	shalt  }
0x4c: {  	_ =	shalt  }
0x4d: {  	_ =	shalt  }
0x4e: {  	_ =	shalt  }
0x4f: {  	_ =	shalt  }
0x50: {  	_ =	shalt  }
0x51: {  	_ =	shalt  }
0x52: {  	_ =	shalt  }
0x53: {  	_ =	shalt  }
0x54: {  	_ =	shalt  }
0x55: {  	_ =	shalt  }
0x56: {  	_ =	shalt  }
0x57: {  	_ =	shalt  }
0x58: {  	_ =	shalt  }
0x59: {  	_ =	shalt  }
0x5a: {  	_ =	shalt  }
0x5b: {  	_ =	shalt  }
0x5c: {  	_ =	shalt  }
0x5d: {  	_ =	shalt  }
0x5e: {  	_ =	shalt  }
0x5f: {  	_ =	shalt  }
0x60: {  	_ =	shalt  }
0x61: {  	_ =	shalt  }
0x62: {  	_ =	shalt  }
0x63: {  	_ =	shalt  }
0x64: {  	_ =	shalt  }
0x65: {  	_ =	shalt  }
0x66: {  	_ =	shalt  }
0x67: {  	_ =	shalt  }
0x68: {  	_ =	shalt  }
0x69: {  	_ =	shalt  }
0x6a: {  	_ =	shalt  }
0x6b: {  	_ =	shalt  }
0x6c: {  	_ =	shalt  }
0x6d: {  	_ =	shalt  }
0x6e: {  	_ =	shalt  }
0x6f: {  	_ =	shalt  }
0x70: {  	_ =	shalt  }
0x71: {  	_ =	shalt  }
0x72: {  	_ =	shalt  }
0x73: {  	_ =	shalt  }
0x74: {  	_ =	shalt  }
0x75: {  	_ =	shalt  }
0x76: {  	_ =	shalt  }
0x77: {  	_ =	shalt  }
0x78: {  	_ =	shalt  }
0x79: {  	_ =	shalt  }
0x7a: {  	_ =	shalt  }
0x7b: {  	_ =	shalt  }
0x7c: {  	_ =	shalt  }
0x7d: {  	_ =	shalt  }
0x7e: {  	_ =	shalt  }
0x7f: {  	_ =	shalt  }
0x80: {  	_ =	shalt  }
0x81: {  	_ =	shalt  }
0x82: {  	_ =	shalt  }
0x83: {  	_ =	shalt  }
0x84: {  	_ =	shalt  }
0x85: {  	_ =	shalt  }
0x86: {  	_ =	shalt  }
0x87: {  	_ =	shalt  }
.Lfunc_end0:
.L_simem_size_0:
called_computation_lowered:
.L_overlay_start_0:
0x88: {  	s2 =	sld [smem:$0x3FD9]  }
0x89: {  	s3 =	sld [smem:$0x3FFE];
	_ =	sdelay $0x1  }
0x8a: {  	s1 =	srdreg.scid  }
0x8b: {  	s0 =	sand.u32 $0x1, s1  }
0x8c: {  	s16 =	sshll.u32 s0, $0xA;
	s2 =	sadd.s32 s3, s2  }
0x8d: {  	s2 =	sadd.s32 s2, s16  }
0x8e: {  	[smem:$0x3FC2] =	sst s2  }
0x8f: {  	_ = 	snop  }
0x90: {  	(tm) =	ssettm $0x1  }
0x91: {  	s17 =	sld [smem:$0x3FFB];
	_ =	sdelay $0x3  }
0x92: {  	_ =	strace s17  }
0x93: {  	s2 =	sld [smem:$0x3FFC];
	_ =	sdelay $0x3  }
0x94: {  	_ =	strace s2  }
0x95: {  	s2 =	sld [smem:$0x3FFD];
	_ =	sdelay $0x3  }
0x96: {  	_ =	strace s2  }
0x97: {  	_ =	strace $0x8FFFFFFF  }
0x98: {  	s18 =	sld [smem:$0x3FDB];
	_ =	sdelay $0x1  }
0x99: {  	s19 =	simm.s32 $_scs_section_size  }
0x9a: {  	s4 =	simm.s32 $_size__tile_overlayer_lowered;
	s5 =	simm.s32 $_tile_overlayer_lowered  }
0x9b: {  	s22 =	simm.s32 $0x1BFF;
	s21 =	sshll.u32 s5, $0x1;
	s2 =	sadd.s32 s19, s18  }
0x9c: {  	s6 =	simm.s32 $0x0;
	s20 =	sshll.u32 s4, $0x1;
	s4 =	sadd.s32 s21, s2  }
0x9d: {  	[timem:s6], [sflag:s22] =	dma.local [hbm:s4], s20  }
0x9e: {  	_ =	swait.ge [sflag:s22], s20  }
0x9f: {  	s3 =	ssub.s32 $0x0, s20;
	[sflag:s22] =	ssyncset.done $0x0  }
0xa0: {  	[sflag:s22] =	ssyncadd.s32 s3;
	_ =	sdelay $0x1  }
0xa1: {  	s23 =	simm.s32 $0x1B8B  }
0xa2: {  	_ =	swait.ge [sflag:s23], $0x1  }
0xa3: {  	[sflag:s23] =	ssyncset.done $0x0  }
0xa4: {  	s25 =	simm.s32 $0x1B8E;
	s24 =	sld [smem:$0x3FFE];
	[sflag:s23] =	ssyncadd.s32 $0xFFFFFFFF  }
0xa5: {  	s26 =	simm.s32 $execute0_lowered;
	[smem:$0x3FD2] =	sst s25  }
0xa6: {  	s4 =	sshll.u32 s26, $0x1;
	_ =	strace $0x80000046;
	[dreg:$0x1] =	wrdreg $0xFFFFFFFF  }
0xa7: {  	s28 =	simm.s32 $_size_execute0_lowered;
	s2 =	sadd.s32 s2, s4;
	[dreg:$0x0] =	wrdreg $0x0  }
0xa8: {  	s4 =	sshll.u32 s28, $0x1;
	[dreg:$0x2] =	wrdreg s2  }
0xa9: {  	[dreg:$0x3] =	wrdreg s4  }
0xaa: {  	[dreg:$0x4] =	wrdreg $0xC0  }
0xab: {  	_ =	task [dreg:s6], $0x5FFFF  }
0xac: {  	[dreg:$0x1] =	wrdreg $0xFFFFFFFF  }
0xad: {  	[dreg:$0x0] =	wrdreg $0x60  }
0xae: {  	[dreg:$0x2] =	wrdreg s24  }
0xaf: {  	[dreg:$0x3] =	wrdreg $0x9  }
0xb0: {  	_ =	task.clear_ibuf [dreg:s6], $0x4FFFF;
	_ =	strace $0x90000046  }
0xb1: {  	s29 =	simm.s32 $0x9;
	_ =	strace $0x80000048  }
0xb2: {  	_ =	swait.ge [sflag:s29], $0x1  }
0xb3: {  	[sflag:s29] =	ssyncadd.s32 $0xFFFFFFFF  }
0xb4: {  	_ =	strace $0x90000048  }
0xb5: {  	_ =	sfence  }
0xb6: {  	s30 =	sld [smem:$0x0];
	_ =	sdelay $0x2  }
0xb7: {  	s31 =	sshll.u32 s1, $0xD;
	s1 =	sshrl.u32 s1, $0x2  }
0xb8: {  	s3 =	sand.u32 $0x4000, s31;
	s1 =	sadd.s32 s1, s30  }
0xb9: {  	s0 =	sor.u32 s3, s0;
	s1 =	sshll.u32 s1, $0x11  }
0xba: {  	s0 =	sor.u32 s1, s0  }
0xbb: {  	s0 =	sadd.s32 $0x8F2B, s0  }
0xbc: {  	[sflag:s0] =	ssyncadd.remote.s32 $0x1  }
0xbd: {  	_ =	sfence.sel $0xFFFF  }
0xbe: {  	[dreg:$0x0] =	wrdreg $0xFFFFFFFF;
	(pc) =	sbr.abs _section_cstart, $3  }
0xbf: {  	[dreg:$0x1] =	wrdreg $0xFFFFFFFF  }
0xc0: {  	_ =	task.clear_ibuf [dreg:s6], $0x2FFFF;
	_ =	strace $0x9FFFFFFF  }
0xc1: {  	(tm) =	ssettm $0x7FFFFFFF  }
tec
execute0_lowered:
.L_overlay_start_1:
0x0: {  	(tag) =	ssettag $0x1  }
0x1: {  	s3 =	rddreg [dreg:$0x0]  }
0x2: {  	s2 =	srdreg.scid;
	s1 =	stileid.u32  }
0x3: {  	s0 =	rddreg [dreg:$0x1];
	s10 =	simm.s32 $0x400;
	s5 =	smul.u32 $0x1AE0, s1  }
0x4: {  	s4 =	sand.u32 $0x1, s2;
	s2 =	simm.s32 $0x0;
	s6 =	smul.u32 $0x3420, s1  }
0x5: {  	s7 =	sshrl.u32 s1, $0x2;
	s8 =	sshll.u32 s1, $0x8;
	p0 =	seq.s32 s4, $0x0  }
0x6: {  	s7 =	smul.u32 $0x14000, s7;
	s9 =	sshll.u32 s4, $0x7;
	s8 =	sand.u32 $0x300, s8  }
0x7: {  	[smem:$0x7FF] =	sst s2;
	s4 =	ssub.s32 $0x2, s4;
	s5 =	sadd.s32 $0x34200, s5  }
0x8: {  	s30 =	sor.u32 s9, s8;
	_ =	strace $0x80000047;
	s31 =	sshrl.u32 s4, $0x1  }
0x9: {  	s8 =	simm.s32 $0x3480;
	s5 =	smov.u32 @p0 s6;
	s6 =	sor.u32 s7, s30  }
0xa: {  	s9 =	simm.s32 $0x80;
	s5 =	sshrl.u32 s5, $0x3;
	s6 =	sshrl.u32 s6, $0x3  }
0xb: {  	s5 =	sadd.s32 s5, s3;
	s6 =	sadd.s32 s6, s3;
	s3 =	simm.s32 $0x342  }
0xc: {  	s7 =	ssub.s32 s4, s31;
	s3 =	simm.s32 @!p0 $0x1AE;
	s4 =	sadd.s32 $0xC800, s5  }
0xd: {  	v0 =	vimm.f32 $0.0e+00;
	v1 =	vimm.f32 $1.000000000e+00;
	s5 =	sadd.s32 $0x16A00, s6;
	s6 =	smax.u32 s7, $0x1;
	s7 =	simm.s32 $0x1  }
.LBB2_1:
0xe: {  	s11 =	simm.s32 $0x40;
	s12 =	simm.s32 $0x0  }
.LBB2_2:
0xf: {  	p0 =	sne.s32 s11, $0x9FC0;
	[tilespmem:s12+$0x3480] =	vst v0;
	s12 =	smov.u32 s11;
	s11 =	sadd.s32 $0x40, s11  }
.Ltmp0:
0x10: {  	(pc) =	sbr.rel @p0 .LBB2_2-.Ltmp0, $2  }
0x11: {  	_ =	sdelay $0x2  }
0x12: {  	s12 =	sshra.s32 s12, $0x2  }
0x13: {  	[tilespmem:s12+$0x3480] =	vst v0;
	s11 =	simm.s32 $0x0;
	p0 =	sne.s32 s3, $0x1  }
0x14: {  	[tilespmem:s11], [sflag:$0x1] =	stream.linear.gather [hbm4b:s4+s11], $0x3420, $0x38;
	[tilespmem:$0x5C80] =	vst v63  }
.Ltmp1:
0x15: {  	_ = 	snop;
	(pc) =	sbr.rel @!p0 .LBB2_5-.Ltmp1, $4  }
0x16: {  	_ =	swait.ge [sflag:s7], $0x3420  }
0x17: {  	[sflag:s7] =	ssyncset.done $0x0  }
0x18: {  	[sflag:s7] =	ssyncadd.s32 $0xFFFFCBE0  }
0x19: {  	s12 =	sadd.s32 $0xFFFFFFFF, s3;
	v2 =	vld [tilespmem:s11+$0x0]  }
.LBB2_4:
0x1a: {  	p0 =	sne.s32 s12, $0x1;
	_ =	sdelay $0x3  }
.Ltmp2:
0x1b: {  	(pc) =	sbr.rel @p0 .LBB2_4-.Ltmp2, $3  }
0x1c: {  	_ =	sdelay $0x1  }
0x1d: {  	s11 =	sadd.s32 $0x10, s11;
	[tilespmem:v2+s8+$0x0] =	vst.idx.add.f32.msk $0xffff, v1  }
0x1e: {  	s12 =	sadd.s32 $0xFFFFFFFF, s12;
	v2 =	vld [tilespmem:s11+$0x0]  }
.LBB2_5:
0x1f: {  	_ =	sdelay $0x5  }
0x20: {  	s2 =	sadd.s32 $0x1, s2  }
0x21: {  	p0 =	sne.s32 s2, s6  }
.Ltmp3:
0x22: {  	[tilespmem:v2+s8+$0x0] =	vst.idx.add.f32.msk $0xffff, v1;
	(pc) =	sbr.rel @p0 .LBB2_1-.Ltmp3, $4  }
0x23: {  	[hbm4b:s5+s9] =	stream.strided.scatter [tilespmem:s8], [sflag:$0x1], $0x2800, s10, s9, $0x38;
	[tilespmem:$0x5C80] =	vst v63  }
0x24: {  	_ =	swait.ge [sflag:s7], $0x2800  }
0x25: {  	[sflag:s7] =	ssyncset.done $0x0  }
0x26: {  	[sflag:s7] =	ssyncadd.s32 $0xFFFFD800  }
0x27: {  	_ =	sfence.sel $0x180000  }
0x28: {  	[bflag:$0x0] =	sbarrier.arrive $0xFFFF  }
0x29: {  	p0 =	sne.s32 s1, $0x0;
	_ =	strace $0x90000047  }
0x2a: {  	s0 =	sadd.s32 @!p0 $0x100000, s0;
	[bflag:$0x2] =	sbarrier.arrive $0xFFFF  }
0x2b: {  	[sflag:s0] =	ssyncadd.tile.s32 @!p0 $0x1;
	_ =	shalt  }
.Lfunc_end2:
_tile_overlayer_lowered:
.L_overlay_start_2:
0x2c: {  	(tag) =	ssettag $0x2  }
0x2d: {  	s0 =	rddreg [dreg:$0x0];
	s2 =	stileid.u32  }
0x2e: {  	s1 =	rddreg [dreg:$0x1];
	p0 =	sne.s32 s2, $0x0  }
0x2f: {  	s3 =	rddreg [dreg:$0x2];
	[bflag:$0x3] =	sbarrier.arrive $0xFFFF;
	s2 =	simm.s32 @!p0 $0x1C01  }
0x30: {  	[timem:s3], [sflag:s2] =	dma.local @!p0 [hbm:s0], s1  }
0x31: {  	s0 =	simm.s32 @!p0 $0x1  }
0x32: {  	_ =	swait.ge @!p0 [sflag:s0], s1  }
0x33: {  	s1 =	ssub.s32 @!p0 $0x0, s1;
	[sflag:s0] =	ssyncset.done @!p0 $0x0  }
0x34: {  	[sflag:s0] =	ssyncadd.s32 @!p0 s1  }
0x35: {  	[bflag:$0x3] =	sbarrier.arrive $0xFFFF  }
0x36: {  	_ =	shalt  }

</sc_bundles>
